<compile_context>
chip_gen: v7x
topology: tpu7x:2x2x1
jax: 0.10.2.dev20260603
libtpu: 0.0.44.dev20260713+nightly
codegen_flags: <defaults>
</compile_context>

<pallas_src>
import functools

import jax
import jax.numpy as jnp
from jax import lax
from jax.experimental import pallas as pl
from jax.experimental.pallas import tpu as pltpu
from jax.experimental.pallas import tpu_sc as plsc

T, D, I, E = 2048, 1024, 512, 8
TILE = 512
NR_R = 8192
NR = NR_R + T
NT_R = NR_R // TILE
NT = NT_R + T // TILE


def _shift_down(y, s):
    z = jnp.zeros((s, y.shape[1]), y.dtype)
    return jnp.concatenate([z, y[:-s]], axis=0)


def _cumsum_rows(y):
    n = y.shape[0]
    s = 1
    while s < n:
        y = y + _shift_down(y, s)
        s *= 2
    return y


def _router_kernel(x_ref, wr_ref, br_ref, pos0_ref, pos1_ref, w0_ref, w1_ref,
                   eid_ref, valid_ref):
    x = x_ref[...]
    logits = jnp.dot(x, wr_ref[...], preferred_element_type=jnp.float32)
    logits = logits + br_ref[...]
    a = jax.nn.sigmoid(logits)
    idx = lax.broadcasted_iota(jnp.int32, (T, E), 1)
    m1 = jnp.max(a, axis=1, keepdims=True)
    i1 = jnp.min(jnp.where(a == m1, idx, E), axis=1, keepdims=True)
    a2 = jnp.where(idx == i1, -1.0, a)
    m2 = jnp.max(a2, axis=1, keepdims=True)
    i2 = jnp.min(jnp.where(a2 == m2, idx, E), axis=1, keepdims=True)
    denom = m1 + m2 + 1e-9
    w0_ref[...] = jnp.broadcast_to(m1 / denom, (T, 128))
    w1_ref[...] = jnp.broadcast_to(m2 / denom, (T, 128))

    oh0 = (idx == i1).astype(jnp.int32)
    oh1 = (idx == i2).astype(jnp.int32)
    cum0 = _cumsum_rows(oh0)
    cum1 = _cumsum_rows(oh1)
    cnt0 = cum0[T - 1:T, :]
    cnt1 = cum1[T - 1:T, :]
    cnt = cnt0 + cnt1
    pad_cnt = ((cnt + (TILE - 1)) >> 9) << 9

    ex = jnp.concatenate([jnp.zeros((1, 1), jnp.int32), pad_cnt[:, :E - 1]], axis=1)
    s = 1
    while s < E:
        ex = ex + jnp.concatenate([jnp.zeros((1, s), jnp.int32), ex[:, :E - s]], axis=1)
        s *= 2
    offset = ex
    total_padded = offset[:, E - 1:E] + pad_cnt[:, E - 1:E]

    rank0 = jnp.sum(cum0 * oh0, axis=1, keepdims=True) - 1
    rank1 = (jnp.sum(cnt0 * oh1, axis=1, keepdims=True)
             + jnp.sum(cum1 * oh1, axis=1, keepdims=True) - 1)
    off0 = jnp.sum(offset * oh0, axis=1, keepdims=True)
    off1 = jnp.sum(offset * oh1, axis=1, keepdims=True)
    pos0_ref[...] = off0 + rank0
    pos1_ref[...] = off1 + rank1

    rowstart = lax.broadcasted_iota(jnp.int32, (NT_R, E), 0) * TILE
    off_b = jnp.broadcast_to(offset, (NT_R, E))
    n_le = jnp.sum((rowstart >= off_b).astype(jnp.int32), axis=1, keepdims=True)
    eid_r = n_le - 1
    valid_r = (rowstart[:, :1] < total_padded).astype(jnp.int32)
    eid_ref[...] = jnp.clip(eid_r, 0, E - 1)
    valid_ref[...] = valid_r


def _run_router(x, Wr, br):
    return pl.pallas_call(
        _router_kernel,
        out_shape=[
            jax.ShapeDtypeStruct((T, 1), jnp.int32),
            jax.ShapeDtypeStruct((T, 1), jnp.int32),
            jax.ShapeDtypeStruct((T, 128), jnp.float32),
            jax.ShapeDtypeStruct((T, 128), jnp.float32),
            jax.ShapeDtypeStruct((NT_R, 1), jnp.int32),
            jax.ShapeDtypeStruct((NT_R, 1), jnp.int32),
        ],
    )(x, Wr, br.reshape(1, E))


def _silu(x):
    return x * jax.nn.sigmoid(x)


def _ffn_body(xb, wg, bg, wu, bu, wd, bd, rw):
    g = jnp.dot(xb, wg, preferred_element_type=jnp.float32) + bg
    u = jnp.dot(xb, wu, preferred_element_type=jnp.float32) + bu
    h = g * jax.nn.sigmoid(g) * u
    y = jnp.dot(h, wd, preferred_element_type=jnp.float32) + bd
    return y * rw


def _ffn_kernel(eid_s, valid_s, xs_ref, weg_ref, weu_ref, wed_ref,
                beg_ref, beu_ref, bed_ref, rw_ref, ye_ref):
    i = pl.program_id(0)

    @pl.when(valid_s[i] == 1)
    def _():
        rw = rw_ref[:, :1]
        ye_ref[...] = _ffn_body(xs_ref[...], weg_ref[0], beg_ref[0],
                                weu_ref[0], beu_ref[0], wed_ref[0],
                                bed_ref[0], rw)


def _shared_ffn_kernel(x_ref, wsg_ref, wsu_ref, wsd_ref, bsg_ref, bsu_ref,
                       bsd_ref, ysh_ref):
    ones = jnp.ones((TILE, 1), jnp.float32)
    ysh_ref[...] = _ffn_body(x_ref[...], wsg_ref[...], bsg_ref[...],
                             wsu_ref[...], bsu_ref[...], wsd_ref[...],
                             bsd_ref[...], ones)


def _run_shared_ffn(x, Wsg, bsg, Wsu, bsu, Wsd, bsd):
    return pl.pallas_call(
        _shared_ffn_kernel,
        grid=(T // TILE,),
        in_specs=[
            pl.BlockSpec((TILE, D), lambda i: (i, 0)),
            pl.BlockSpec((D, I), lambda i: (0, 0)),
            pl.BlockSpec((D, I), lambda i: (0, 0)),
            pl.BlockSpec((I, D), lambda i: (0, 0)),
            pl.BlockSpec((1, I), lambda i: (0, 0)),
            pl.BlockSpec((1, I), lambda i: (0, 0)),
            pl.BlockSpec((1, D), lambda i: (0, 0)),
        ],
        out_specs=pl.BlockSpec((TILE, D), lambda i: (i, 0)),
        out_shape=jax.ShapeDtypeStruct((T, D), jnp.float32),
    )(x, Wsg, Wsu, Wsd, bsg.reshape(1, I), bsu.reshape(1, I),
      bsd.reshape(1, D))


def _run_ffn(xs, row_w, tile_eid, tile_valid,
             Weg, beg, Weu, beu, Wed, bed):
    def emap(i, eid, val):
        return (eid[i], 0, 0)

    grid_spec = pltpu.PrefetchScalarGridSpec(
        num_scalar_prefetch=2,
        grid=(NT_R,),
        in_specs=[
            pl.BlockSpec((TILE, D), lambda i, eid, val: (i, 0)),
            pl.BlockSpec((1, D, I), emap),
            pl.BlockSpec((1, D, I), emap),
            pl.BlockSpec((1, I, D), emap),
            pl.BlockSpec((1, 1, I), emap),
            pl.BlockSpec((1, 1, I), emap),
            pl.BlockSpec((1, 1, D), emap),
            pl.BlockSpec((TILE, 128), lambda i, eid, val: (i, 0)),
        ],
        out_specs=pl.BlockSpec((TILE, D), lambda i, eid, val: (i, 0)),
    )
    return pl.pallas_call(
        _ffn_kernel,
        grid_spec=grid_spec,
        out_shape=jax.ShapeDtypeStruct((NR_R, D), jnp.float32),
    )(tile_eid, tile_valid, xs, Weg, Weu, Wed,
      beg.reshape(E, 1, I), beu.reshape(E, 1, I), bed.reshape(E, 1, D),
      row_w)


_NW = 32


def _sc_mesh():
    return plsc.VectorSubcoreMesh(core_axis_name="c", subcore_axis_name="s")


def _wid():
    return lax.axis_index("s") * 2 + lax.axis_index("c")


def _run_dispatch(x, pos0, pos1, w0r, w1r):
    toks_per_w = T // _NW

    @functools.partial(
        pl.kernel,
        out_type=[
            jax.ShapeDtypeStruct((NR_R, D), jnp.float32),
            jax.ShapeDtypeStruct((NR_R, 128), jnp.float32),
        ],
        mesh=_sc_mesh(),
        scratch_types=[
            pltpu.VMEM((toks_per_w, D), jnp.float32),
            pltpu.VMEM((toks_per_w, 128), jnp.float32),
            pltpu.VMEM((toks_per_w,), jnp.int32),
            pltpu.VMEM((toks_per_w,), jnp.int32),
            pltpu.SemaphoreType.DMA,
        ],
    )
    def k(x_hbm, p0_hbm, p1_hbm, w0_hbm, w1_hbm, xs_hbm, rw_hbm,
          xrows_v, wrep_v, i0_v, i1_v, sem):
        tb = _wid() * toks_per_w
        sl = pl.ds(tb, toks_per_w)
        pltpu.sync_copy(p0_hbm.at[sl], i0_v)
        pltpu.sync_copy(p1_hbm.at[sl], i1_v)

        pltpu.sync_copy(x_hbm.at[sl], xrows_v)
        pltpu.async_copy(xrows_v, xs_hbm.at[i0_v], sem).wait()
        pltpu.async_copy(xrows_v, xs_hbm.at[i1_v], sem).wait()

        pltpu.sync_copy(w0_hbm.at[sl], wrep_v)
        pltpu.async_copy(wrep_v, rw_hbm.at[i0_v], sem).wait()
        pltpu.sync_copy(w1_hbm.at[sl], wrep_v)
        pltpu.async_copy(wrep_v, rw_hbm.at[i1_v], sem).wait()

    return k(x, pos0, pos1, w0r, w1r)


def _run_combine_gather(ye, pos0, pos1):
    toks_per_w = T // _NW
    CH = 16

    @functools.partial(
        pl.kernel,
        out_type=jax.ShapeDtypeStruct((2, T, D), jnp.float32),
        mesh=_sc_mesh(),
        scratch_types=[
            pltpu.VMEM((CH,), jnp.int32),
            pltpu.VMEM((CH,), jnp.int32),
            pltpu.VMEM((CH, D), jnp.float32),
            pltpu.VMEM((CH, D), jnp.float32),
            pltpu.SemaphoreType.DMA,
        ],
    )
    def k(ye_hbm, p0_hbm, p1_hbm, rr_hbm, i0_v, i1_v, r0_v, r1_v, sem):
        base = _wid() * toks_per_w

        def body(c, carry):
            tb = base + c * CH
            pltpu.sync_copy(p0_hbm.at[pl.ds(tb, CH)], i0_v)
            pltpu.sync_copy(p1_hbm.at[pl.ds(tb, CH)], i1_v)
            d0 = pltpu.async_copy(ye_hbm.at[i0_v], r0_v, sem)
            d1 = pltpu.async_copy(ye_hbm.at[i1_v], r1_v, sem)
            d0.wait()
            pltpu.sync_copy(r0_v, rr_hbm.at[0, pl.ds(tb, CH)])
            d1.wait()
            pltpu.sync_copy(r1_v, rr_hbm.at[1, pl.ds(tb, CH)])
            return carry

        lax.fori_loop(0, toks_per_w // CH, body, 0)

    return k(ye, pos0, pos1)


def _add3_kernel(r0_ref, r1_ref, rs_ref, out_ref):
    out_ref[...] = r0_ref[0] + r1_ref[0] + rs_ref[...]


def _run_add3(rr, ysh):
    return pl.pallas_call(
        _add3_kernel,
        grid=(T // TILE,),
        in_specs=[
            pl.BlockSpec((1, TILE, D), lambda i: (0, i, 0)),
            pl.BlockSpec((1, TILE, D), lambda i: (1, i, 0)),
            pl.BlockSpec((TILE, D), lambda i: (i, 0)),
        ],
        out_specs=pl.BlockSpec((TILE, D), lambda i: (i, 0)),
        out_shape=jax.ShapeDtypeStruct((T, D), jnp.float32),
    )(rr, rr, ysh)


def kernel(hidden_states, Wr, br, Wsg, bsg, Wsu, bsu, Wsd, bsd, Weg, beg, Weu, beu, Wed, bed):
    x = hidden_states
    pos0c, pos1c, w0r, w1r, eidc, validc = _run_router(x, Wr, br)
    pos0, pos1 = pos0c[:, 0], pos1c[:, 0]
    tile_eid, tile_valid = eidc[:, 0], validc[:, 0]

    xs, rw = _run_dispatch(x, pos0, pos1, w0r, w1r)
    ysh = _run_shared_ffn(x, Wsg, bsg, Wsu, bsu, Wsd, bsd)
    ye = _run_ffn(xs, rw, tile_eid, tile_valid,
                  Weg, beg, Weu, beu, Wed, bed)

    rr = _run_combine_gather(ye, pos0, pos1)
    out = _run_add3(rr, ysh)
    return out

# --- scband reference (transcript-rebuilt; emitter-appended) ---
"""Pipeline reference for scband-deep-seek-v3-1-mo-e-2001454760762 (READ-ONLY COPY).

The authoritative reference and input builder live on the scoring server;
editing this copy changes nothing except your own understanding.
"""

import jax, jax.numpy as jnp
import numpy as np

T, D, I, E, K = 2048, 1024, 512, 8, 2

def silu(x):
    return x * jax.nn.sigmoid(x)

def setup_inputs(seed: int = 0) -> dict:
    key = jax.random.key(seed)
    ks = jax.random.split(key, 16)
    s = 0.02
    inp = {}
    inp['hidden_states'] = jax.random.normal(ks[0], (T, D), dtype=jnp.float32)
    inp['Wr'] = jax.random.normal(ks[1], (D, E), dtype=jnp.float32) * s
    inp['br'] = jnp.zeros((E,), dtype=jnp.float32)
    inp['Wsg'] = jax.random.normal(ks[2], (D, I), dtype=jnp.float32) * s
    inp['bsg'] = jnp.zeros((I,), dtype=jnp.float32)
    inp['Wsu'] = jax.random.normal(ks[3], (D, I), dtype=jnp.float32) * s
    inp['bsu'] = jnp.zeros((I,), dtype=jnp.float32)
    inp['Wsd'] = jax.random.normal(ks[4], (I, D), dtype=jnp.float32) * s
    inp['bsd'] = jnp.zeros((D,), dtype=jnp.float32)
    inp['Weg'] = jax.random.normal(ks[5], (E, D, I), dtype=jnp.float32) * s
    inp['beg'] = jnp.zeros((E, I), dtype=jnp.float32)
    inp['Weu'] = jax.random.normal(ks[6], (E, D, I), dtype=jnp.float32) * s
    inp['beu'] = jnp.zeros((E, I), dtype=jnp.float32)
    inp['Wed'] = jax.random.normal(ks[7], (E, I, D), dtype=jnp.float32) * s
    inp['bed'] = jnp.zeros((E, D), dtype=jnp.float32)
    return inp

def reference(hidden_states, Wr, br, Wsg, bsg, Wsu, bsu, Wsd, bsd, Weg, beg, Weu, beu, Wed, bed):
    compute_dtype = hidden_states.dtype
    x32 = hidden_states.astype(jnp.float32)
    router_logits = x32 @ Wr + br
    affinity = jax.nn.sigmoid(router_logits)
    top_v, top_i = jax.lax.top_k(affinity, K)
    top_w = top_v / (jnp.sum(top_v, axis=-1, keepdims=True) + 1e-9)
    top_w = top_w.astype(compute_dtype)
    out = jnp.zeros_like(hidden_states)
    # shared expert (always active)
    shared = (silu(hidden_states @ Wsg + bsg) * (hidden_states @ Wsu + bsu)) @ Wsd + bsd
    out = out + shared.astype(compute_dtype)
    # routed experts: dense compute with per-token masking (faithful to reference)
    for i in range(E):
        mask = (top_i == i)
        mask_any = jnp.any(mask, axis=-1, keepdims=True).astype(compute_dtype)
        weight = jnp.sum(top_w * mask.astype(compute_dtype), axis=-1, keepdims=True)
        eo = (silu(hidden_states @ Weg[i] + beg[i]) * (hidden_states @ Weu[i] + beu[i])) @ Wed[i] + bed[i]
        out = out + eo.astype(compute_dtype) * weight * mask_any
    return out

if __name__ == "__main__":
    import jax
    _d = setup_inputs()
    print(jax.jit(kernel)(*tuple(_d.values())))

</pallas_src>

<mosaic_0001>
#map = affine_map<(d0, d1) -> (0, 0)>
#map1 = affine_map<(d0, d1) -> (0)>
#map2 = affine_map<(d0, d1) -> (0, 0, 0)>
module attributes {stable_mosaic.version = 14 : i64} {
  func.func @k(%arg0: i32, %arg1: i32, %arg2: memref<8192x1024xf32, #tpu.memory_space<hbm>>, %arg3: memref<2048xi32, #tpu.memory_space<hbm>>, %arg4: memref<2048xi32, #tpu.memory_space<hbm>>, %arg5: memref<2x2048x1024xf32, #tpu.memory_space<hbm>>, %arg6: memref<16xi32, #tpu.memory_space<vmem>>, %arg7: memref<16xi32, #tpu.memory_space<vmem>>, %arg8: memref<16x1024xf32, #tpu.memory_space<vmem>>, %arg9: memref<16x1024xf32, #tpu.memory_space<vmem>>, %arg10: memref<!tpu.dma_semaphore, #tpu.memory_space<semaphore_mem>>) attributes {dimension_semantics = [#tpu.dimension_semantics<core_parallel>, #tpu.dimension_semantics<subcore_parallel>], iteration_bounds = array<i64: 2, 16>, scalar_prefetch = 0 : i64, scratch_operands = 5 : i64, tpu.core_type = #tpu.core_type<sc_vector_subcore>, window_params = [{transform_indices = #map}, {transform_indices = #map1}, {transform_indices = #map1}, {transform_indices = #map2}]} {
    %mul3A = arith.constant 2 : i32
    %mul3A_0 = arith.muli %arg1, %mul3A : i32
    %add3A = arith.addi %mul3A_0, %arg0 : i32
    %mul3A_1 = arith.constant 64 : i32
    %mul3A_2 = arith.muli %add3A, %mul3A_1 : i32
    %scan3A = arith.constant 0 : i32
    %scan3A_3 = arith.constant 0 : i32
    %scan3A_4 = arith.constant 4 : i32
    %scan3A_5 = arith.addi %scan3A_3, %scan3A_4 : i32
    %scan3A_6 = arith.constant 1 : i32
    scf.for %scan3A_8 = %scan3A_3 to %scan3A_5 step %scan3A_6  : i32 {
      %mul3A_9 = arith.constant 16 : i32
      %mul3A_10 = arith.muli %scan3A_8, %mul3A_9 : i32
      %add3A_11 = arith.addi %mul3A_2, %mul3A_10 : i32
      "tpu.region"() ({
        %run_scoped3A_23 = tpu.sem_alloc : memref<!tpu.dma_semaphore, #tpu.memory_space<semaphore_mem>>
        %dma_start3A_24 = tpu.memref_slice %arg3[%add3A_11] : memref<2048xi32, #tpu.memory_space<hbm>> -> memref<16xi32, #tpu.memory_space<hbm>>
        %dma_start3A_25 = tpu.memref_slice %arg3[%add3A_11] : memref<2048xi32, #tpu.memory_space<hbm>> -> memref<16xi32, #tpu.memory_space<hbm>>
        tpu.enqueue_dma source(%dma_start3A_25 : memref<16xi32, #tpu.memory_space<hbm>>) target(%arg6 : memref<16xi32, #tpu.memory_space<vmem>>) target_semaphore(%run_scoped3A_23 : memref<!tpu.dma_semaphore, #tpu.memory_space<semaphore_mem>>)
        %dma_wait3A_26 = tpu.memref_slice %arg3[%add3A_11] : memref<2048xi32, #tpu.memory_space<hbm>> -> memref<16xi32, #tpu.memory_space<hbm>>
        %dma_wait3A_27 = tpu.memref_slice %arg3[%add3A_11] : memref<2048xi32, #tpu.memory_space<hbm>> -> memref<16xi32, #tpu.memory_space<hbm>>
        tpu.wait_dma2 semaphore(%run_scoped3A_23 : memref<!tpu.dma_semaphore, #tpu.memory_space<semaphore_mem>>) src(%dma_wait3A_27 : memref<16xi32, #tpu.memory_space<hbm>>) dst(%arg6 : memref<16xi32, #tpu.memory_space<vmem>>)
        tpu.yield
      }) : () -> ()
      "tpu.region"() ({
        %run_scoped3A_23 = tpu.sem_alloc : memref<!tpu.dma_semaphore, #tpu.memory_space<semaphore_mem>>
        %dma_start3A_24 = tpu.memref_slice %arg4[%add3A_11] : memref<2048xi32, #tpu.memory_space<hbm>> -> memref<16xi32, #tpu.memory_space<hbm>>
        %dma_start3A_25 = tpu.memref_slice %arg4[%add3A_11] : memref<2048xi32, #tpu.memory_space<hbm>> -> memref<16xi32, #tpu.memory_space<hbm>>
        tpu.enqueue_dma source(%dma_start3A_25 : memref<16xi32, #tpu.memory_space<hbm>>) target(%arg7 : memref<16xi32, #tpu.memory_space<vmem>>) target_semaphore(%run_scoped3A_23 : memref<!tpu.dma_semaphore, #tpu.memory_space<semaphore_mem>>)
        %dma_wait3A_26 = tpu.memref_slice %arg4[%add3A_11] : memref<2048xi32, #tpu.memory_space<hbm>> -> memref<16xi32, #tpu.memory_space<hbm>>
        %dma_wait3A_27 = tpu.memref_slice %arg4[%add3A_11] : memref<2048xi32, #tpu.memory_space<hbm>> -> memref<16xi32, #tpu.memory_space<hbm>>
        tpu.wait_dma2 semaphore(%run_scoped3A_23 : memref<!tpu.dma_semaphore, #tpu.memory_space<semaphore_mem>>) src(%dma_wait3A_27 : memref<16xi32, #tpu.memory_space<hbm>>) dst(%arg7 : memref<16xi32, #tpu.memory_space<vmem>>)
        tpu.yield
      }) : () -> ()
      %dma_start3A = arith.constant 0 : i32
      %dma_start3A_12 = arith.constant 0 : i32
      %dma_start3A_13 = tpu.memref_slice %arg2[%dma_start3A, %dma_start3A_12] : memref<8192x1024xf32, #tpu.memory_space<hbm>> -> memref<8192x1024xf32, #tpu.memory_space<hbm>>
      tpu.enqueue_indirect_dma source(%dma_start3A_13 : memref<8192x1024xf32, #tpu.memory_space<hbm>>) target(%arg8 : memref<16x1024xf32, #tpu.memory_space<vmem>>) offsets(%arg6 : memref<16xi32, #tpu.memory_space<vmem>>) semaphore(%arg10 : memref<!tpu.dma_semaphore, #tpu.memory_space<semaphore_mem>>)
      %dma_start3A_14 = arith.constant 0 : i32
      %dma_start3A_15 = arith.constant 0 : i32
      %dma_start3A_16 = tpu.memref_slice %arg2[%dma_start3A_14, %dma_start3A_15] : memref<8192x1024xf32, #tpu.memory_space<hbm>> -> memref<8192x1024xf32, #tpu.memory_space<hbm>>
      tpu.enqueue_indirect_dma source(%dma_start3A_16 : memref<8192x1024xf32, #tpu.memory_space<hbm>>) target(%arg9 : memref<16x1024xf32, #tpu.memory_space<vmem>>) offsets(%arg7 : memref<16xi32, #tpu.memory_space<vmem>>) semaphore(%arg10 : memref<!tpu.dma_semaphore, #tpu.memory_space<semaphore_mem>>)
      %dma_wait3A = arith.constant 0 : i32
      %dma_wait3A_17 = arith.constant 0 : i32
      %dma_wait3A_18 = tpu.memref_slice %arg2[%dma_wait3A, %dma_wait3A_17] : memref<8192x1024xf32, #tpu.memory_space<hbm>> -> memref<8192x1024xf32, #tpu.memory_space<hbm>>
      tpu.wait_indirect_dma semaphore(%arg10 : memref<!tpu.dma_semaphore, #tpu.memory_space<semaphore_mem>>) src(%dma_wait3A_18 : memref<8192x1024xf32, #tpu.memory_space<hbm>>) dst(%arg8 : memref<16x1024xf32, #tpu.memory_space<vmem>>)
      %run_scoped3A = arith.constant 0 : i32
      "tpu.region"() ({
        %run_scoped3A_23 = tpu.sem_alloc : memref<!tpu.dma_semaphore, #tpu.memory_space<semaphore_mem>>
        %dma_start3A_24 = arith.constant 0 : i32
        %dma_start3A_25 = tpu.memref_slice %arg5[%run_scoped3A, %add3A_11, %dma_start3A_24] : memref<2x2048x1024xf32, #tpu.memory_space<hbm>> -> memref<1x16x1024xf32, #tpu.memory_space<hbm>>
        %dma_start3A_26 = tpu.memref_squeeze %dma_start3A_25 : memref<1x16x1024xf32, #tpu.memory_space<hbm>> -> memref<16x1024xf32, #tpu.memory_space<hbm>>
        %dma_start3A_27 = arith.constant 0 : i32
        %dma_start3A_28 = tpu.memref_slice %arg5[%run_scoped3A, %add3A_11, %dma_start3A_27] : memref<2x2048x1024xf32, #tpu.memory_space<hbm>> -> memref<1x16x1024xf32, #tpu.memory_space<hbm>>
        %dma_start3A_29 = tpu.memref_squeeze %dma_start3A_28 : memref<1x16x1024xf32, #tpu.memory_space<hbm>> -> memref<16x1024xf32, #tpu.memory_space<hbm>>
        tpu.enqueue_dma source(%arg8 : memref<16x1024xf32, #tpu.memory_space<vmem>>) target(%dma_start3A_29 : memref<16x1024xf32, #tpu.memory_space<hbm>>) target_semaphore(%run_scoped3A_23 : memref<!tpu.dma_semaphore, #tpu.memory_space<semaphore_mem>>)
        %dma_wait3A_30 = arith.constant 0 : i32
        %dma_wait3A_31 = tpu.memref_slice %arg5[%run_scoped3A, %add3A_11, %dma_wait3A_30] : memref<2x2048x1024xf32, #tpu.memory_space<hbm>> -> memref<1x16x1024xf32, #tpu.memory_space<hbm>>
        %dma_wait3A_32 = tpu.memref_squeeze %dma_wait3A_31 : memref<1x16x1024xf32, #tpu.memory_space<hbm>> -> memref<16x1024xf32, #tpu.memory_space<hbm>>
        %dma_wait3A_33 = arith.constant 0 : i32
        %dma_wait3A_34 = tpu.memref_slice %arg5[%run_scoped3A, %add3A_11, %dma_wait3A_33] : memref<2x2048x1024xf32, #tpu.memory_space<hbm>> -> memref<1x16x1024xf32, #tpu.memory_space<hbm>>
        %dma_wait3A_35 = tpu.memref_squeeze %dma_wait3A_34 : memref<1x16x1024xf32, #tpu.memory_space<hbm>> -> memref<16x1024xf32, #tpu.memory_space<hbm>>
        tpu.wait_dma2 semaphore(%run_scoped3A_23 : memref<!tpu.dma_semaphore, #tpu.memory_space<semaphore_mem>>) src(%arg8 : memref<16x1024xf32, #tpu.memory_space<vmem>>) dst(%dma_wait3A_35 : memref<16x1024xf32, #tpu.memory_space<hbm>>)
        tpu.yield
      }) : () -> ()
      %dma_wait3A_19 = arith.constant 0 : i32
      %dma_wait3A_20 = arith.constant 0 : i32
      %dma_wait3A_21 = tpu.memref_slice %arg2[%dma_wait3A_19, %dma_wait3A_20] : memref<8192x1024xf32, #tpu.memory_space<hbm>> -> memref<8192x1024xf32, #tpu.memory_space<hbm>>
      tpu.wait_indirect_dma semaphore(%arg10 : memref<!tpu.dma_semaphore, #tpu.memory_space<semaphore_mem>>) src(%dma_wait3A_21 : memref<8192x1024xf32, #tpu.memory_space<hbm>>) dst(%arg9 : memref<16x1024xf32, #tpu.memory_space<vmem>>)
      %run_scoped3A_22 = arith.constant 1 : i32
      "tpu.region"() ({
        %run_scoped3A_23 = tpu.sem_alloc : memref<!tpu.dma_semaphore, #tpu.memory_space<semaphore_mem>>
        %dma_start3A_24 = arith.constant 0 : i32
        %dma_start3A_25 = tpu.memref_slice %arg5[%run_scoped3A_22, %add3A_11, %dma_start3A_24] : memref<2x2048x1024xf32, #tpu.memory_space<hbm>> -> memref<1x16x1024xf32, #tpu.memory_space<hbm>>
        %dma_start3A_26 = tpu.memref_squeeze %dma_start3A_25 : memref<1x16x1024xf32, #tpu.memory_space<hbm>> -> memref<16x1024xf32, #tpu.memory_space<hbm>>
        %dma_start3A_27 = arith.constant 0 : i32
        %dma_start3A_28 = tpu.memref_slice %arg5[%run_scoped3A_22, %add3A_11, %dma_start3A_27] : memref<2x2048x1024xf32, #tpu.memory_space<hbm>> -> memref<1x16x1024xf32, #tpu.memory_space<hbm>>
        %dma_start3A_29 = tpu.memref_squeeze %dma_start3A_28 : memref<1x16x1024xf32, #tpu.memory_space<hbm>> -> memref<16x1024xf32, #tpu.memory_space<hbm>>
        tpu.enqueue_dma source(%arg9 : memref<16x1024xf32, #tpu.memory_space<vmem>>) target(%dma_start3A_29 : memref<16x1024xf32, #tpu.memory_space<hbm>>) target_semaphore(%run_scoped3A_23 : memref<!tpu.dma_semaphore, #tpu.memory_space<semaphore_mem>>)
        %dma_wait3A_30 = arith.constant 0 : i32
        %dma_wait3A_31 = tpu.memref_slice %arg5[%run_scoped3A_22, %add3A_11, %dma_wait3A_30] : memref<2x2048x1024xf32, #tpu.memory_space<hbm>> -> memref<1x16x1024xf32, #tpu.memory_space<hbm>>
        %dma_wait3A_32 = tpu.memref_squeeze %dma_wait3A_31 : memref<1x16x1024xf32, #tpu.memory_space<hbm>> -> memref<16x1024xf32, #tpu.memory_space<hbm>>
        %dma_wait3A_33 = arith.constant 0 : i32
        %dma_wait3A_34 = tpu.memref_slice %arg5[%run_scoped3A_22, %add3A_11, %dma_wait3A_33] : memref<2x2048x1024xf32, #tpu.memory_space<hbm>> -> memref<1x16x1024xf32, #tpu.memory_space<hbm>>
        %dma_wait3A_35 = tpu.memref_squeeze %dma_wait3A_34 : memref<1x16x1024xf32, #tpu.memory_space<hbm>> -> memref<16x1024xf32, #tpu.memory_space<hbm>>
        tpu.wait_dma2 semaphore(%run_scoped3A_23 : memref<!tpu.dma_semaphore, #tpu.memory_space<semaphore_mem>>) src(%arg9 : memref<16x1024xf32, #tpu.memory_space<vmem>>) dst(%dma_wait3A_35 : memref<16x1024xf32, #tpu.memory_space<hbm>>)
        tpu.yield
      }) : () -> ()
    }
    %scan3A_7 = arith.constant 4 : i32
    return
  }
}

#map = affine_map<(d0, d1) -> (0, 0)>
#map1 = affine_map<(d0, d1) -> (0)>
module attributes {stable_mosaic.version = 14 : i64} {
  func.func @k(%arg0: i32, %arg1: i32, %arg2: memref<2048x1024xf32, #tpu.memory_space<hbm>>, %arg3: memref<2048xi32, #tpu.memory_space<hbm>>, %arg4: memref<2048xi32, #tpu.memory_space<hbm>>, %arg5: memref<2048x128xf32, #tpu.memory_space<hbm>>, %arg6: memref<2048x128xf32, #tpu.memory_space<hbm>>, %arg7: memref<8192x1024xf32, #tpu.memory_space<hbm>>, %arg8: memref<8192x128xf32, #tpu.memory_space<hbm>>, %arg9: memref<64x1024xf32, #tpu.memory_space<vmem>>, %arg10: memref<64x128xf32, #tpu.memory_space<vmem>>, %arg11: memref<64xi32, #tpu.memory_space<vmem>>, %arg12: memref<64xi32, #tpu.memory_space<vmem>>, %arg13: memref<!tpu.dma_semaphore, #tpu.memory_space<semaphore_mem>>) attributes {dimension_semantics = [#tpu.dimension_semantics<core_parallel>, #tpu.dimension_semantics<subcore_parallel>], iteration_bounds = array<i64: 2, 16>, scalar_prefetch = 0 : i64, scratch_operands = 5 : i64, tpu.core_type = #tpu.core_type<sc_vector_subcore>, window_params = [{transform_indices = #map}, {transform_indices = #map1}, {transform_indices = #map1}, {transform_indices = #map}, {transform_indices = #map}, {transform_indices = #map}, {transform_indices = #map}]} {
    %mul3A = arith.constant 2 : i32
    %mul3A_0 = arith.muli %arg1, %mul3A : i32
    %add3A = arith.addi %mul3A_0, %arg0 : i32
    %mul3A_1 = arith.constant 64 : i32
    %mul3A_2 = arith.muli %add3A, %mul3A_1 : i32
    "tpu.region"() ({
      %run_scoped3A = tpu.sem_alloc : memref<!tpu.dma_semaphore, #tpu.memory_space<semaphore_mem>>
      %dma_start3A_25 = tpu.memref_slice %arg3[%mul3A_2] : memref<2048xi32, #tpu.memory_space<hbm>> -> memref<64xi32, #tpu.memory_space<hbm>>
      %dma_start3A_26 = tpu.memref_slice %arg3[%mul3A_2] : memref<2048xi32, #tpu.memory_space<hbm>> -> memref<64xi32, #tpu.memory_space<hbm>>
      tpu.enqueue_dma source(%dma_start3A_26 : memref<64xi32, #tpu.memory_space<hbm>>) target(%arg11 : memref<64xi32, #tpu.memory_space<vmem>>) target_semaphore(%run_scoped3A : memref<!tpu.dma_semaphore, #tpu.memory_space<semaphore_mem>>)
      %dma_wait3A_27 = tpu.memref_slice %arg3[%mul3A_2] : memref<2048xi32, #tpu.memory_space<hbm>> -> memref<64xi32, #tpu.memory_space<hbm>>
      %dma_wait3A_28 = tpu.memref_slice %arg3[%mul3A_2] : memref<2048xi32, #tpu.memory_space<hbm>> -> memref<64xi32, #tpu.memory_space<hbm>>
      tpu.wait_dma2 semaphore(%run_scoped3A : memref<!tpu.dma_semaphore, #tpu.memory_space<semaphore_mem>>) src(%dma_wait3A_28 : memref<64xi32, #tpu.memory_space<hbm>>) dst(%arg11 : memref<64xi32, #tpu.memory_space<vmem>>)
      tpu.yield
    }) : () -> ()
    "tpu.region"() ({
      %run_scoped3A = tpu.sem_alloc : memref<!tpu.dma_semaphore, #tpu.memory_space<semaphore_mem>>
      %dma_start3A_25 = tpu.memref_slice %arg4[%mul3A_2] : memref<2048xi32, #tpu.memory_space<hbm>> -> memref<64xi32, #tpu.memory_space<hbm>>
      %dma_start3A_26 = tpu.memref_slice %arg4[%mul3A_2] : memref<2048xi32, #tpu.memory_space<hbm>> -> memref<64xi32, #tpu.memory_space<hbm>>
      tpu.enqueue_dma source(%dma_start3A_26 : memref<64xi32, #tpu.memory_space<hbm>>) target(%arg12 : memref<64xi32, #tpu.memory_space<vmem>>) target_semaphore(%run_scoped3A : memref<!tpu.dma_semaphore, #tpu.memory_space<semaphore_mem>>)
      %dma_wait3A_27 = tpu.memref_slice %arg4[%mul3A_2] : memref<2048xi32, #tpu.memory_space<hbm>> -> memref<64xi32, #tpu.memory_space<hbm>>
      %dma_wait3A_28 = tpu.memref_slice %arg4[%mul3A_2] : memref<2048xi32, #tpu.memory_space<hbm>> -> memref<64xi32, #tpu.memory_space<hbm>>
      tpu.wait_dma2 semaphore(%run_scoped3A : memref<!tpu.dma_semaphore, #tpu.memory_space<semaphore_mem>>) src(%dma_wait3A_28 : memref<64xi32, #tpu.memory_space<hbm>>) dst(%arg12 : memref<64xi32, #tpu.memory_space<vmem>>)
      tpu.yield
    }) : () -> ()
    "tpu.region"() ({
      %run_scoped3A = tpu.sem_alloc : memref<!tpu.dma_semaphore, #tpu.memory_space<semaphore_mem>>
      %dma_start3A_25 = arith.constant 0 : i32
      %dma_start3A_26 = tpu.memref_slice %arg2[%mul3A_2, %dma_start3A_25] : memref<2048x1024xf32, #tpu.memory_space<hbm>> -> memref<64x1024xf32, #tpu.memory_space<hbm>>
      %dma_start3A_27 = arith.constant 0 : i32
      %dma_start3A_28 = tpu.memref_slice %arg2[%mul3A_2, %dma_start3A_27] : memref<2048x1024xf32, #tpu.memory_space<hbm>> -> memref<64x1024xf32, #tpu.memory_space<hbm>>
      tpu.enqueue_dma source(%dma_start3A_28 : memref<64x1024xf32, #tpu.memory_space<hbm>>) target(%arg9 : memref<64x1024xf32, #tpu.memory_space<vmem>>) target_semaphore(%run_scoped3A : memref<!tpu.dma_semaphore, #tpu.memory_space<semaphore_mem>>)
      %dma_wait3A_29 = arith.constant 0 : i32
      %dma_wait3A_30 = tpu.memref_slice %arg2[%mul3A_2, %dma_wait3A_29] : memref<2048x1024xf32, #tpu.memory_space<hbm>> -> memref<64x1024xf32, #tpu.memory_space<hbm>>
      %dma_wait3A_31 = arith.constant 0 : i32
      %dma_wait3A_32 = tpu.memref_slice %arg2[%mul3A_2, %dma_wait3A_31] : memref<2048x1024xf32, #tpu.memory_space<hbm>> -> memref<64x1024xf32, #tpu.memory_space<hbm>>
      tpu.wait_dma2 semaphore(%run_scoped3A : memref<!tpu.dma_semaphore, #tpu.memory_space<semaphore_mem>>) src(%dma_wait3A_32 : memref<64x1024xf32, #tpu.memory_space<hbm>>) dst(%arg9 : memref<64x1024xf32, #tpu.memory_space<vmem>>)
      tpu.yield
    }) : () -> ()
    %dma_start3A = arith.constant 0 : i32
    %dma_start3A_3 = arith.constant 0 : i32
    %dma_start3A_4 = tpu.memref_slice %arg7[%dma_start3A, %dma_start3A_3] : memref<8192x1024xf32, #tpu.memory_space<hbm>> -> memref<8192x1024xf32, #tpu.memory_space<hbm>>
    tpu.enqueue_indirect_dma source(%arg9 : memref<64x1024xf32, #tpu.memory_space<vmem>>) target(%dma_start3A_4 : memref<8192x1024xf32, #tpu.memory_space<hbm>>) offsets(%arg11 : memref<64xi32, #tpu.memory_space<vmem>>) semaphore(%arg13 : memref<!tpu.dma_semaphore, #tpu.memory_space<semaphore_mem>>)
    %dma_wait3A = arith.constant 0 : i32
    %dma_wait3A_5 = arith.constant 0 : i32
    %dma_wait3A_6 = tpu.memref_slice %arg7[%dma_wait3A, %dma_wait3A_5] : memref<8192x1024xf32, #tpu.memory_space<hbm>> -> memref<8192x1024xf32, #tpu.memory_space<hbm>>
    tpu.wait_indirect_dma semaphore(%arg13 : memref<!tpu.dma_semaphore, #tpu.memory_space<semaphore_mem>>) src(%arg9 : memref<64x1024xf32, #tpu.memory_space<vmem>>) dst(%dma_wait3A_6 : memref<8192x1024xf32, #tpu.memory_space<hbm>>)
    %dma_start3A_7 = arith.constant 0 : i32
    %dma_start3A_8 = arith.constant 0 : i32
    %dma_start3A_9 = tpu.memref_slice %arg7[%dma_start3A_7, %dma_start3A_8] : memref<8192x1024xf32, #tpu.memory_space<hbm>> -> memref<8192x1024xf32, #tpu.memory_space<hbm>>
    tpu.enqueue_indirect_dma source(%arg9 : memref<64x1024xf32, #tpu.memory_space<vmem>>) target(%dma_start3A_9 : memref<8192x1024xf32, #tpu.memory_space<hbm>>) offsets(%arg12 : memref<64xi32, #tpu.memory_space<vmem>>) semaphore(%arg13 : memref<!tpu.dma_semaphore, #tpu.memory_space<semaphore_mem>>)
    %dma_wait3A_10 = arith.constant 0 : i32
    %dma_wait3A_11 = arith.constant 0 : i32
    %dma_wait3A_12 = tpu.memref_slice %arg7[%dma_wait3A_10, %dma_wait3A_11] : memref<8192x1024xf32, #tpu.memory_space<hbm>> -> memref<8192x1024xf32, #tpu.memory_space<hbm>>
    tpu.wait_indirect_dma semaphore(%arg13 : memref<!tpu.dma_semaphore, #tpu.memory_space<semaphore_mem>>) src(%arg9 : memref<64x1024xf32, #tpu.memory_space<vmem>>) dst(%dma_wait3A_12 : memref<8192x1024xf32, #tpu.memory_space<hbm>>)
    "tpu.region"() ({
      %run_scoped3A = tpu.sem_alloc : memref<!tpu.dma_semaphore, #tpu.memory_space<semaphore_mem>>
      %dma_start3A_25 = arith.constant 0 : i32
      %dma_start3A_26 = tpu.memref_slice %arg5[%mul3A_2, %dma_start3A_25] : memref<2048x128xf32, #tpu.memory_space<hbm>> -> memref<64x128xf32, #tpu.memory_space<hbm>>
      %dma_start3A_27 = arith.constant 0 : i32
      %dma_start3A_28 = tpu.memref_slice %arg5[%mul3A_2, %dma_start3A_27] : memref<2048x128xf32, #tpu.memory_space<hbm>> -> memref<64x128xf32, #tpu.memory_space<hbm>>
      tpu.enqueue_dma source(%dma_start3A_28 : memref<64x128xf32, #tpu.memory_space<hbm>>) target(%arg10 : memref<64x128xf32, #tpu.memory_space<vmem>>) target_semaphore(%run_scoped3A : memref<!tpu.dma_semaphore, #tpu.memory_space<semaphore_mem>>)
      %dma_wait3A_29 = arith.constant 0 : i32
      %dma_wait3A_30 = tpu.memref_slice %arg5[%mul3A_2, %dma_wait3A_29] : memref<2048x128xf32, #tpu.memory_space<hbm>> -> memref<64x128xf32, #tpu.memory_space<hbm>>
      %dma_wait3A_31 = arith.constant 0 : i32
      %dma_wait3A_32 = tpu.memref_slice %arg5[%mul3A_2, %dma_wait3A_31] : memref<2048x128xf32, #tpu.memory_space<hbm>> -> memref<64x128xf32, #tpu.memory_space<hbm>>
      tpu.wait_dma2 semaphore(%run_scoped3A : memref<!tpu.dma_semaphore, #tpu.memory_space<semaphore_mem>>) src(%dma_wait3A_32 : memref<64x128xf32, #tpu.memory_space<hbm>>) dst(%arg10 : memref<64x128xf32, #tpu.memory_space<vmem>>)
      tpu.yield
    }) : () -> ()
    %dma_start3A_13 = arith.constant 0 : i32
    %dma_start3A_14 = arith.constant 0 : i32
    %dma_start3A_15 = tpu.memref_slice %arg8[%dma_start3A_13, %dma_start3A_14] : memref<8192x128xf32, #tpu.memory_space<hbm>> -> memref<8192x128xf32, #tpu.memory_space<hbm>>
    tpu.enqueue_indirect_dma source(%arg10 : memref<64x128xf32, #tpu.memory_space<vmem>>) target(%dma_start3A_15 : memref<8192x128xf32, #tpu.memory_space<hbm>>) offsets(%arg11 : memref<64xi32, #tpu.memory_space<vmem>>) semaphore(%arg13 : memref<!tpu.dma_semaphore, #tpu.memory_space<semaphore_mem>>)
    %dma_wait3A_16 = arith.constant 0 : i32
    %dma_wait3A_17 = arith.constant 0 : i32
    %dma_wait3A_18 = tpu.memref_slice %arg8[%dma_wait3A_16, %dma_wait3A_17] : memref<8192x128xf32, #tpu.memory_space<hbm>> -> memref<8192x128xf32, #tpu.memory_space<hbm>>
    tpu.wait_indirect_dma semaphore(%arg13 : memref<!tpu.dma_semaphore, #tpu.memory_space<semaphore_mem>>) src(%arg10 : memref<64x128xf32, #tpu.memory_space<vmem>>) dst(%dma_wait3A_18 : memref<8192x128xf32, #tpu.memory_space<hbm>>)
    "tpu.region"() ({
      %run_scoped3A = tpu.sem_alloc : memref<!tpu.dma_semaphore, #tpu.memory_space<semaphore_mem>>
      %dma_start3A_25 = arith.constant 0 : i32
      %dma_start3A_26 = tpu.memref_slice %arg6[%mul3A_2, %dma_start3A_25] : memref<2048x128xf32, #tpu.memory_space<hbm>> -> memref<64x128xf32, #tpu.memory_space<hbm>>
      %dma_start3A_27 = arith.constant 0 : i32
      %dma_start3A_28 = tpu.memref_slice %arg6[%mul3A_2, %dma_start3A_27] : memref<2048x128xf32, #tpu.memory_space<hbm>> -> memref<64x128xf32, #tpu.memory_space<hbm>>
      tpu.enqueue_dma source(%dma_start3A_28 : memref<64x128xf32, #tpu.memory_space<hbm>>) target(%arg10 : memref<64x128xf32, #tpu.memory_space<vmem>>) target_semaphore(%run_scoped3A : memref<!tpu.dma_semaphore, #tpu.memory_space<semaphore_mem>>)
      %dma_wait3A_29 = arith.constant 0 : i32
      %dma_wait3A_30 = tpu.memref_slice %arg6[%mul3A_2, %dma_wait3A_29] : memref<2048x128xf32, #tpu.memory_space<hbm>> -> memref<64x128xf32, #tpu.memory_space<hbm>>
      %dma_wait3A_31 = arith.constant 0 : i32
      %dma_wait3A_32 = tpu.memref_slice %arg6[%mul3A_2, %dma_wait3A_31] : memref<2048x128xf32, #tpu.memory_space<hbm>> -> memref<64x128xf32, #tpu.memory_space<hbm>>
      tpu.wait_dma2 semaphore(%run_scoped3A : memref<!tpu.dma_semaphore, #tpu.memory_space<semaphore_mem>>) src(%dma_wait3A_32 : memref<64x128xf32, #tpu.memory_space<hbm>>) dst(%arg10 : memref<64x128xf32, #tpu.memory_space<vmem>>)
      tpu.yield
    }) : () -> ()
    %dma_start3A_19 = arith.constant 0 : i32
    %dma_start3A_20 = arith.constant 0 : i32
    %dma_start3A_21 = tpu.memref_slice %arg8[%dma_start3A_19, %dma_start3A_20] : memref<8192x128xf32, #tpu.memory_space<hbm>> -> memref<8192x128xf32, #tpu.memory_space<hbm>>
    tpu.enqueue_indirect_dma source(%arg10 : memref<64x128xf32, #tpu.memory_space<vmem>>) target(%dma_start3A_21 : memref<8192x128xf32, #tpu.memory_space<hbm>>) offsets(%arg12 : memref<64xi32, #tpu.memory_space<vmem>>) semaphore(%arg13 : memref<!tpu.dma_semaphore, #tpu.memory_space<semaphore_mem>>)
    %dma_wait3A_22 = arith.constant 0 : i32
    %dma_wait3A_23 = arith.constant 0 : i32
    %dma_wait3A_24 = tpu.memref_slice %arg8[%dma_wait3A_22, %dma_wait3A_23] : memref<8192x128xf32, #tpu.memory_space<hbm>> -> memref<8192x128xf32, #tpu.memory_space<hbm>>
    tpu.wait_indirect_dma semaphore(%arg13 : memref<!tpu.dma_semaphore, #tpu.memory_space<semaphore_mem>>) src(%arg10 : memref<64x128xf32, #tpu.memory_space<vmem>>) dst(%dma_wait3A_24 : memref<8192x128xf32, #tpu.memory_space<hbm>>)
    return
  }
}

module attributes {stable_mosaic.version = 14 : i64} {
  func.func @_ffn_kernel(%arg0: i32, %arg1: memref<16xi32, #tpu.memory_space<smem>>, %arg2: memref<16xi32, #tpu.memory_space<smem>>, %arg3: memref<512x1024xf32, #tpu.memory_space<vmem>>, %arg4: memref<1x1024x512xf32, #tpu.memory_space<vmem>>, %arg5: memref<1x1024x512xf32, #tpu.memory_space<vmem>>, %arg6: memref<1x512x1024xf32, #tpu.memory_space<vmem>>, %arg7: memref<1x1x512xf32, #tpu.memory_space<vmem>>, %arg8: memref<1x1x512xf32, #tpu.memory_space<vmem>>, %arg9: memref<1x1x1024xf32, #tpu.memory_space<vmem>>, %arg10: memref<512x128xf32, #tpu.memory_space<vmem>>, %arg11: memref<512x1024xf32, #tpu.memory_space<vmem>>) attributes {dimension_semantics = [#tpu.dimension_semantics<arbitrary>], iteration_bounds = array<i64: 16>, scalar_prefetch = 2 : i64, scratch_operands = 0 : i64, tpu.core_type = #tpu.core_type<tc>, window_params = [{transform_indices = @transform_0, window_bounds = array<i64: 512, 1024>}, {transform_indices = @transform_1, window_bounds = array<i64: 1, 1024, 512>}, {transform_indices = @transform_2, window_bounds = array<i64: 1, 1024, 512>}, {transform_indices = @transform_3, window_bounds = array<i64: 1, 512, 1024>}, {transform_indices = @transform_4, window_bounds = array<i64: 1, 1, 512>}, {transform_indices = @transform_5, window_bounds = array<i64: 1, 1, 512>}, {transform_indices = @transform_6, window_bounds = array<i64: 1, 1, 1024>}, {transform_indices = @transform_7, window_bounds = array<i64: 512, 128>}, {transform_indices = @transform_8, window_bounds = array<i64: 512, 1024>}]} {
    %get3A = arith.index_cast %arg0 : i32 to index
    %get3A_0 = memref.load %arg2[%get3A] : memref<16xi32, #tpu.memory_space<smem>>
    %eq3A = arith.constant 1 : i32
    %eq3A_1 = arith.cmpi eq, %get3A_0, %eq3A : i32
    %convert_element_type3A = arith.extui %eq3A_1 : i1 to i32
    %cond3A = arith.constant 0 : i32
    %cond3A_2 = arith.cmpi ne, %convert_element_type3A, %cond3A : i32
    scf.if %cond3A_2 {
      %get3A_3 = arith.constant 0 : index
      %get3A_4 = arith.constant 0 : index
      %get3A_5 = vector.load %arg10[%get3A_3, %get3A_4] : memref<512x128xf32, #tpu.memory_space<vmem>>, vector<512x1xf32>
      %get3A_6 = arith.constant 0 : index
      %get3A_7 = arith.constant 0 : index
      %get3A_8 = vector.load %arg3[%get3A_6, %get3A_7] : memref<512x1024xf32, #tpu.memory_space<vmem>>, vector<512x1024xf32>
      %get3A_9 = arith.constant 0 : index
      %get3A_10 = arith.constant 0 : index
      %get3A_11 = arith.constant 0 : index
      %get3A_12 = vector.load %arg4[%get3A_9, %get3A_10, %get3A_11] : memref<1x1024x512xf32, #tpu.memory_space<vmem>>, vector<1x1024x512xf32>
      %get3A_13 = vector.shape_cast %get3A_12 : vector<1x1024x512xf32> to vector<1024x512xf32>
      %get3A_14 = arith.constant 0 : index
      %get3A_15 = arith.constant 0 : index
      %get3A_16 = arith.constant 0 : index
      %get3A_17 = vector.load %arg7[%get3A_14, %get3A_15, %get3A_16] : memref<1x1x512xf32, #tpu.memory_space<vmem>>, vector<1x1x512xf32>
      %get3A_18 = vector.shape_cast %get3A_17 : vector<1x1x512xf32> to vector<1x512xf32>
      %get3A_19 = arith.constant 0 : index
      %get3A_20 = arith.constant 0 : index
      %get3A_21 = arith.constant 0 : index
      %get3A_22 = vector.load %arg5[%get3A_19, %get3A_20, %get3A_21] : memref<1x1024x512xf32, #tpu.memory_space<vmem>>, vector<1x1024x512xf32>
      %get3A_23 = vector.shape_cast %get3A_22 : vector<1x1024x512xf32> to vector<1024x512xf32>
      %get3A_24 = arith.constant 0 : index
      %get3A_25 = arith.constant 0 : index
      %get3A_26 = arith.constant 0 : index
      %get3A_27 = vector.load %arg8[%get3A_24, %get3A_25, %get3A_26] : memref<1x1x512xf32, #tpu.memory_space<vmem>>, vector<1x1x512xf32>
      %get3A_28 = vector.shape_cast %get3A_27 : vector<1x1x512xf32> to vector<1x512xf32>
      %get3A_29 = arith.constant 0 : index
      %get3A_30 = arith.constant 0 : index
      %get3A_31 = arith.constant 0 : index
      %get3A_32 = vector.load %arg6[%get3A_29, %get3A_30, %get3A_31] : memref<1x512x1024xf32, #tpu.memory_space<vmem>>, vector<1x512x1024xf32>
      %get3A_33 = vector.shape_cast %get3A_32 : vector<1x512x1024xf32> to vector<512x1024xf32>
      %get3A_34 = arith.constant 0 : index
      %get3A_35 = arith.constant 0 : index
      %get3A_36 = arith.constant 0 : index
      %get3A_37 = vector.load %arg9[%get3A_34, %get3A_35, %get3A_36] : memref<1x1x1024xf32, #tpu.memory_space<vmem>>, vector<1x1x1024xf32>
      %get3A_38 = vector.shape_cast %get3A_37 : vector<1x1x1024xf32> to vector<1x1024xf32>
      %dot_general3A = arith.constant dense<0.000000e+00> : vector<512x512xf32>
      %dot_general3A_39 = tpu.matmul %get3A_8, %get3A_13, %dot_general3A {dimension_numbers = #tpu.dot_dimension_numbers<[1], [0], [0], [1], [0, 0, 1, 1], [], []>, transpose_lhs_hint = false} : vector<512x1024xf32>, vector<1024x512xf32>, vector<512x512xf32> -> vector<512x512xf32>
      %add3A = vector.broadcast %get3A_18 : vector<1x512xf32> to vector<512x512xf32>
      %add3A_40 = arith.addf %dot_general3A_39, %add3A : vector<512x512xf32>
      %dot_general3A_41 = arith.constant dense<0.000000e+00> : vector<512x512xf32>
      %dot_general3A_42 = tpu.matmul %get3A_8, %get3A_23, %dot_general3A_41 {dimension_numbers = #tpu.dot_dimension_numbers<[1], [0], [0], [1], [0, 0, 1, 1], [], []>, transpose_lhs_hint = false} : vector<512x1024xf32>, vector<1024x512xf32>, vector<512x512xf32> -> vector<512x512xf32>
      %add3A_43 = vector.broadcast %get3A_28 : vector<1x512xf32> to vector<512x512xf32>
      %add3A_44 = arith.addf %dot_general3A_42, %add3A_43 : vector<512x512xf32>
      %logistic3A = arith.negf %add3A_40 : vector<512x512xf32>
      %logistic3A_45 = math.exp %logistic3A : vector<512x512xf32>
      %logistic3A_46 = arith.constant 1.000000e+00 : f32
      %logistic3A_47 = vector.broadcast %logistic3A_46 : f32 to vector<512x512xf32>
      %logistic3A_48 = arith.addf %logistic3A_47, %logistic3A_45 : vector<512x512xf32>
      %logistic3A_49 = arith.divf %logistic3A_47, %logistic3A_48 : vector<512x512xf32>
      %mul3A = arith.mulf %add3A_40, %logistic3A_49 : vector<512x512xf32>
      %mul3A_50 = arith.mulf %mul3A, %add3A_44 : vector<512x512xf32>
      %dot_general3A_51 = arith.constant dense<0.000000e+00> : vector<512x1024xf32>
      %dot_general3A_52 = tpu.matmul %mul3A_50, %get3A_33, %dot_general3A_51 {dimension_numbers = #tpu.dot_dimension_numbers<[1], [0], [0], [1], [0, 0, 1, 1], [], []>, transpose_lhs_hint = false} : vector<512x512xf32>, vector<512x1024xf32>, vector<512x1024xf32> -> vector<512x1024xf32>
      %add3A_53 = vector.broadcast %get3A_38 : vector<1x1024xf32> to vector<512x1024xf32>
      %add3A_54 = arith.addf %dot_general3A_52, %add3A_53 : vector<512x1024xf32>
      %mul3A_55 = vector.broadcast %get3A_5 : vector<512x1xf32> to vector<512x1024xf32>
      %mul3A_56 = arith.mulf %add3A_54, %mul3A_55 : vector<512x1024xf32>
      %swap3A = arith.constant 0 : index
      %swap3A_57 = arith.constant 0 : index
      %swap3A_58 = vector.load %arg11[%swap3A, %swap3A_57] : memref<512x1024xf32, #tpu.memory_space<vmem>>, vector<512x1024xf32>
      tpu.vector_store %arg11[%swap3A, %swap3A_57], %mul3A_56 {strides = array<i32>} : memref<512x1024xf32, #tpu.memory_space<vmem>>, vector<512x1024xf32>,
    } else {
    }
    return
  }
  func.func @transform_0(%arg0: i32, %arg1: memref<16xi32, #tpu.memory_space<smem>>, %arg2: memref<16xi32, #tpu.memory_space<smem>>) -> (i32, i32) {
    %c0_i32 = arith.constant 0 : i32
    %c0_i32_0 = arith.constant 0 : i32
    return %arg0, %c0_i32 : i32, i32
  }
  func.func @transform_1(%arg0: i32, %arg1: memref<16xi32, #tpu.memory_space<smem>>, %arg2: memref<16xi32, #tpu.memory_space<smem>>) -> (i32, i32, i32) {
    %get3A = arith.index_cast %arg0 : i32 to index
    %get3A_0 = memref.load %arg1[%get3A] : memref<16xi32, #tpu.memory_space<smem>>
    %c0_i32 = arith.constant 0 : i32
    %c0_i32_1 = arith.constant 0 : i32
    %c0_i32_2 = arith.constant 0 : i32
    return %get3A_0, %c0_i32, %c0_i32_1 : i32, i32, i32
  }
  func.func @transform_2(%arg0: i32, %arg1: memref<16xi32, #tpu.memory_space<smem>>, %arg2: memref<16xi32, #tpu.memory_space<smem>>) -> (i32, i32, i32) {
    %get3A = arith.index_cast %arg0 : i32 to index
    %get3A_0 = memref.load %arg1[%get3A] : memref<16xi32, #tpu.memory_space<smem>>
    %c0_i32 = arith.constant 0 : i32
    %c0_i32_1 = arith.constant 0 : i32
    %c0_i32_2 = arith.constant 0 : i32
    return %get3A_0, %c0_i32, %c0_i32_1 : i32, i32, i32
  }
  func.func @transform_3(%arg0: i32, %arg1: memref<16xi32, #tpu.memory_space<smem>>, %arg2: memref<16xi32, #tpu.memory_space<smem>>) -> (i32, i32, i32) {
    %get3A = arith.index_cast %arg0 : i32 to index
    %get3A_0 = memref.load %arg1[%get3A] : memref<16xi32, #tpu.memory_space<smem>>
    %c0_i32 = arith.constant 0 : i32
    %c0_i32_1 = arith.constant 0 : i32
    %c0_i32_2 = arith.constant 0 : i32
    return %get3A_0, %c0_i32, %c0_i32_1 : i32, i32, i32
  }
  func.func @transform_4(%arg0: i32, %arg1: memref<16xi32, #tpu.memory_space<smem>>, %arg2: memref<16xi32, #tpu.memory_space<smem>>) -> (i32, i32, i32) {
    %get3A = arith.index_cast %arg0 : i32 to index
    %get3A_0 = memref.load %arg1[%get3A] : memref<16xi32, #tpu.memory_space<smem>>
    %c0_i32 = arith.constant 0 : i32
    %c0_i32_1 = arith.constant 0 : i32
    %c0_i32_2 = arith.constant 0 : i32
    return %get3A_0, %c0_i32, %c0_i32_1 : i32, i32, i32
  }
  func.func @transform_5(%arg0: i32, %arg1: memref<16xi32, #tpu.memory_space<smem>>, %arg2: memref<16xi32, #tpu.memory_space<smem>>) -> (i32, i32, i32) {
    %get3A = arith.index_cast %arg0 : i32 to index
    %get3A_0 = memref.load %arg1[%get3A] : memref<16xi32, #tpu.memory_space<smem>>
    %c0_i32 = arith.constant 0 : i32
    %c0_i32_1 = arith.constant 0 : i32
    %c0_i32_2 = arith.constant 0 : i32
    return %get3A_0, %c0_i32, %c0_i32_1 : i32, i32, i32
  }
  func.func @transform_6(%arg0: i32, %arg1: memref<16xi32, #tpu.memory_space<smem>>, %arg2: memref<16xi32, #tpu.memory_space<smem>>) -> (i32, i32, i32) {
    %get3A = arith.index_cast %arg0 : i32 to index
    %get3A_0 = memref.load %arg1[%get3A] : memref<16xi32, #tpu.memory_space<smem>>
    %c0_i32 = arith.constant 0 : i32
    %c0_i32_1 = arith.constant 0 : i32
    %c0_i32_2 = arith.constant 0 : i32
    return %get3A_0, %c0_i32, %c0_i32_1 : i32, i32, i32
  }
  func.func @transform_7(%arg0: i32, %arg1: memref<16xi32, #tpu.memory_space<smem>>, %arg2: memref<16xi32, #tpu.memory_space<smem>>) -> (i32, i32) {
    %c0_i32 = arith.constant 0 : i32
    %c0_i32_0 = arith.constant 0 : i32
    return %arg0, %c0_i32 : i32, i32
  }
  func.func @transform_8(%arg0: i32, %arg1: memref<16xi32, #tpu.memory_space<smem>>, %arg2: memref<16xi32, #tpu.memory_space<smem>>) -> (i32, i32) {
    %c0_i32 = arith.constant 0 : i32
    %c0_i32_0 = arith.constant 0 : i32
    return %arg0, %c0_i32 : i32, i32
  }
}

module attributes {stable_mosaic.version = 14 : i64} {
  func.func @_router_kernel(%arg0: memref<2048x1024xf32, #tpu.memory_space<vmem>>, %arg1: memref<1024x8xf32, #tpu.memory_space<vmem>>, %arg2: memref<1x8xf32, #tpu.memory_space<vmem>>, %arg3: memref<2048x1xi32, #tpu.memory_space<vmem>>, %arg4: memref<2048x1xi32, #tpu.memory_space<vmem>>, %arg5: memref<2048x128xf32, #tpu.memory_space<vmem>>, %arg6: memref<2048x128xf32, #tpu.memory_space<vmem>>, %arg7: memref<16x1xi32, #tpu.memory_space<vmem>>, %arg8: memref<16x1xi32, #tpu.memory_space<vmem>>) attributes {dimension_semantics = [], scalar_prefetch = 0 : i64, scratch_operands = 0 : i64, tpu.core_type = #tpu.core_type<tc>} {
    %get3A = arith.constant 0 : index
    %get3A_0 = arith.constant 0 : index
    %get3A_1 = vector.load %arg0[%get3A, %get3A_0] : memref<2048x1024xf32, #tpu.memory_space<vmem>>, vector<2048x1024xf32>
    %get3A_2 = arith.constant 0 : index
    %get3A_3 = arith.constant 0 : index
    %get3A_4 = vector.load %arg1[%get3A_2, %get3A_3] : memref<1024x8xf32, #tpu.memory_space<vmem>>, vector<1024x8xf32>
    %dot_general3A = arith.constant dense<0.000000e+00> : vector<2048x8xf32>
    %dot_general3A_5 = tpu.matmul %get3A_1, %get3A_4, %dot_general3A {dimension_numbers = #tpu.dot_dimension_numbers<[1], [0], [0], [1], [0, 0, 1, 1], [], []>, transpose_lhs_hint = false} : vector<2048x1024xf32>, vector<1024x8xf32>, vector<2048x8xf32> -> vector<2048x8xf32>
    %get3A_6 = arith.constant 0 : index
    %get3A_7 = arith.constant 0 : index
    %get3A_8 = vector.load %arg2[%get3A_6, %get3A_7] : memref<1x8xf32, #tpu.memory_space<vmem>>, vector<1x8xf32>
    %add3A = vector.broadcast %get3A_8 : vector<1x8xf32> to vector<2048x8xf32>
    %add3A_9 = arith.addf %dot_general3A_5, %add3A : vector<2048x8xf32>
    %logistic3A = arith.negf %add3A_9 : vector<2048x8xf32>
    %logistic3A_10 = math.exp %logistic3A : vector<2048x8xf32>
    %logistic3A_11 = arith.constant 1.000000e+00 : f32
    %logistic3A_12 = vector.broadcast %logistic3A_11 : f32 to vector<2048x8xf32>
    %logistic3A_13 = arith.addf %logistic3A_12, %logistic3A_10 : vector<2048x8xf32>
    %logistic3A_14 = arith.divf %logistic3A_12, %logistic3A_13 : vector<2048x8xf32>
    %iota3A = tpu.iota {dimensions = array<i32: 1>} : vector<2048x8xi32>
    %reduce_max3A = arith.constant dense<0xFF800000> : vector<2048xf32>
    %reduce_max3A_15 = vector.multi_reduction <maximumf>, %logistic3A_14, %reduce_max3A [1] : vector<2048x8xf32> to vector<2048xf32>
    %broadcast_in_dim3A = vector.shape_cast %reduce_max3A_15 : vector<2048xf32> to vector<2048x1xf32>
    %eq3A = vector.broadcast %broadcast_in_dim3A : vector<2048x1xf32> to vector<2048x8xf32>
    %eq3A_16 = arith.cmpf oeq, %logistic3A_14, %eq3A : vector<2048x8xf32>
    %jit3A = arith.constant 8 : i32
    %broadcast_in_dim3A_17 = vector.broadcast %jit3A : i32 to vector<2048x8xi32>
    %select_n3A = arith.select %eq3A_16, %iota3A, %broadcast_in_dim3A_17 : vector<2048x8xi1>, vector<2048x8xi32>
    %reduce_min3A = arith.constant dense<2147483647> : vector<2048xi32>
    %reduce_min3A_18 = vector.multi_reduction <minsi>, %select_n3A, %reduce_min3A [1] : vector<2048x8xi32> to vector<2048xi32>
    %broadcast_in_dim3A_19 = vector.shape_cast %reduce_min3A_18 : vector<2048xi32> to vector<2048x1xi32>
    %eq3A_20 = vector.broadcast %broadcast_in_dim3A_19 : vector<2048x1xi32> to vector<2048x8xi32>
    %eq3A_21 = arith.cmpi eq, %iota3A, %eq3A_20 : vector<2048x8xi32>
    %jit3A_22 = arith.constant -1.000000e+00 : f32
    %broadcast_in_dim3A_23 = vector.broadcast %jit3A_22 : f32 to vector<2048x8xf32>
    %select_n3A_24 = arith.select %eq3A_21, %broadcast_in_dim3A_23, %logistic3A_14 : vector<2048x8xi1>, vector<2048x8xf32>
    %reduce_max3A_25 = arith.constant dense<0xFF800000> : vector<2048xf32>
    %reduce_max3A_26 = vector.multi_reduction <maximumf>, %select_n3A_24, %reduce_max3A_25 [1] : vector<2048x8xf32> to vector<2048xf32>
    %broadcast_in_dim3A_27 = vector.shape_cast %reduce_max3A_26 : vector<2048xf32> to vector<2048x1xf32>
    %eq3A_28 = vector.broadcast %broadcast_in_dim3A_27 : vector<2048x1xf32> to vector<2048x8xf32>
    %eq3A_29 = arith.cmpf oeq, %select_n3A_24, %eq3A_28 : vector<2048x8xf32>
    %jit3A_30 = arith.constant 8 : i32
    %broadcast_in_dim3A_31 = vector.broadcast %jit3A_30 : i32 to vector<2048x8xi32>
    %select_n3A_32 = arith.select %eq3A_29, %iota3A, %broadcast_in_dim3A_31 : vector<2048x8xi1>, vector<2048x8xi32>
    %reduce_min3A_33 = arith.constant dense<2147483647> : vector<2048xi32>
    %reduce_min3A_34 = vector.multi_reduction <minsi>, %select_n3A_32, %reduce_min3A_33 [1] : vector<2048x8xi32> to vector<2048xi32>
    %broadcast_in_dim3A_35 = vector.shape_cast %reduce_min3A_34 : vector<2048xi32> to vector<2048x1xi32>
    %add3A_36 = arith.addf %broadcast_in_dim3A, %broadcast_in_dim3A_27 : vector<2048x1xf32>
    %add3A_37 = arith.constant 9.99999971E-10 : f32
    %add3A_38 = vector.broadcast %add3A_37 : f32 to vector<2048x1xf32>
    %add3A_39 = arith.addf %add3A_36, %add3A_38 : vector<2048x1xf32>
    %div3A = arith.divf %broadcast_in_dim3A, %add3A_39 : vector<2048x1xf32>
    %broadcast_in_dim3A_40 = vector.shape_cast %div3A : vector<2048x1xf32> to vector<2048x1xf32>
    %broadcast_in_dim3A_41 = vector.broadcast %broadcast_in_dim3A_40 : vector<2048x1xf32> to vector<2048x128xf32>
    %swap3A = arith.constant 0 : index
    %swap3A_42 = arith.constant 0 : index
    %swap3A_43 = vector.load %arg5[%swap3A, %swap3A_42] : memref<2048x128xf32, #tpu.memory_space<vmem>>, vector<2048x128xf32>
    tpu.vector_store %arg5[%swap3A, %swap3A_42], %broadcast_in_dim3A_41 {strides = array<i32>} : memref<2048x128xf32, #tpu.memory_space<vmem>>, vector<2048x128xf32>,
    %div3A_44 = arith.divf %broadcast_in_dim3A_27, %add3A_39 : vector<2048x1xf32>
    %broadcast_in_dim3A_45 = vector.shape_cast %div3A_44 : vector<2048x1xf32> to vector<2048x1xf32>
    %broadcast_in_dim3A_46 = vector.broadcast %broadcast_in_dim3A_45 : vector<2048x1xf32> to vector<2048x128xf32>
    %swap3A_47 = arith.constant 0 : index
    %swap3A_48 = arith.constant 0 : index
    %swap3A_49 = vector.load %arg6[%swap3A_47, %swap3A_48] : memref<2048x128xf32, #tpu.memory_space<vmem>>, vector<2048x128xf32>
    tpu.vector_store %arg6[%swap3A_47, %swap3A_48], %broadcast_in_dim3A_46 {strides = array<i32>} : memref<2048x128xf32, #tpu.memory_space<vmem>>, vector<2048x128xf32>,
    %eq3A_50 = vector.broadcast %broadcast_in_dim3A_19 : vector<2048x1xi32> to vector<2048x8xi32>
    %eq3A_51 = arith.cmpi eq, %iota3A, %eq3A_50 : vector<2048x8xi32>
    %convert_element_type3A = arith.extui %eq3A_51 : vector<2048x8xi1> to vector<2048x8xi32>
    %eq3A_52 = vector.broadcast %broadcast_in_dim3A_35 : vector<2048x1xi32> to vector<2048x8xi32>
    %eq3A_53 = arith.cmpi eq, %iota3A, %eq3A_52 : vector<2048x8xi32>
    %convert_element_type3A_54 = arith.extui %eq3A_53 : vector<2048x8xi1> to vector<2048x8xi32>
    %broadcast_in_dim3A_55 = arith.constant 0 : i32
    %broadcast_in_dim3A_56 = vector.broadcast %broadcast_in_dim3A_55 : i32 to vector<1x8xi32>
    %slice3A = vector.extract_strided_slice %convert_element_type3A {offsets = [0, 0], sizes = [2047, 8], strides = [1, 1]} : vector<2048x8xi32> to vector<2047x8xi32>
    %concatenate3A = tpu.concatenate %broadcast_in_dim3A_56, %slice3A in 0 : vector<1x8xi32>, vector<2047x8xi32> -> vector<2048x8xi32>
    %add3A_57 = arith.addi %convert_element_type3A, %concatenate3A : vector<2048x8xi32>
    %broadcast_in_dim3A_58 = arith.constant 0 : i32
    %broadcast_in_dim3A_59 = vector.broadcast %broadcast_in_dim3A_58 : i32 to vector<2x8xi32>
    %slice3A_60 = vector.extract_strided_slice %add3A_57 {offsets = [0, 0], sizes = [2046, 8], strides = [1, 1]} : vector<2048x8xi32> to vector<2046x8xi32>
    %concatenate3A_61 = tpu.concatenate %broadcast_in_dim3A_59, %slice3A_60 in 0 : vector<2x8xi32>, vector<2046x8xi32> -> vector<2048x8xi32>
    %add3A_62 = arith.addi %add3A_57, %concatenate3A_61 : vector<2048x8xi32>
    %broadcast_in_dim3A_63 = arith.constant 0 : i32
    %broadcast_in_dim3A_64 = vector.broadcast %broadcast_in_dim3A_63 : i32 to vector<4x8xi32>
    %slice3A_65 = vector.extract_strided_slice %add3A_62 {offsets = [0, 0], sizes = [2044, 8], strides = [1, 1]} : vector<2048x8xi32> to vector<2044x8xi32>
    %concatenate3A_66 = tpu.concatenate %broadcast_in_dim3A_64, %slice3A_65 in 0 : vector<4x8xi32>, vector<2044x8xi32> -> vector<2048x8xi32>
    %add3A_67 = arith.addi %add3A_62, %concatenate3A_66 : vector<2048x8xi32>
    %broadcast_in_dim3A_68 = arith.constant 0 : i32
    %broadcast_in_dim3A_69 = vector.broadcast %broadcast_in_dim3A_68 : i32 to vector<8x8xi32>
    %slice3A_70 = vector.extract_strided_slice %add3A_67 {offsets = [0, 0], sizes = [2040, 8], strides = [1, 1]} : vector<2048x8xi32> to vector<2040x8xi32>
    %concatenate3A_71 = tpu.concatenate %broadcast_in_dim3A_69, %slice3A_70 in 0 : vector<8x8xi32>, vector<2040x8xi32> -> vector<2048x8xi32>
    %add3A_72 = arith.addi %add3A_67, %concatenate3A_71 : vector<2048x8xi32>
    %broadcast_in_dim3A_73 = arith.constant 0 : i32
    %broadcast_in_dim3A_74 = vector.broadcast %broadcast_in_dim3A_73 : i32 to vector<16x8xi32>
    %slice3A_75 = vector.extract_strided_slice %add3A_72 {offsets = [0, 0], sizes = [2032, 8], strides = [1, 1]} : vector<2048x8xi32> to vector<2032x8xi32>
    %concatenate3A_76 = tpu.concatenate %broadcast_in_dim3A_74, %slice3A_75 in 0 : vector<16x8xi32>, vector<2032x8xi32> -> vector<2048x8xi32>
    %add3A_77 = arith.addi %add3A_72, %concatenate3A_76 : vector<2048x8xi32>
    %broadcast_in_dim3A_78 = arith.constant 0 : i32
    %broadcast_in_dim3A_79 = vector.broadcast %broadcast_in_dim3A_78 : i32 to vector<32x8xi32>
    %slice3A_80 = vector.extract_strided_slice %add3A_77 {offsets = [0, 0], sizes = [2016, 8], strides = [1, 1]} : vector<2048x8xi32> to vector<2016x8xi32>
    %concatenate3A_81 = tpu.concatenate %broadcast_in_dim3A_79, %slice3A_80 in 0 : vector<32x8xi32>, vector<2016x8xi32> -> vector<2048x8xi32>
    %add3A_82 = arith.addi %add3A_77, %concatenate3A_81 : vector<2048x8xi32>
    %broadcast_in_dim3A_83 = arith.constant 0 : i32
    %broadcast_in_dim3A_84 = vector.broadcast %broadcast_in_dim3A_83 : i32 to vector<64x8xi32>
    %slice3A_85 = vector.extract_strided_slice %add3A_82 {offsets = [0, 0], sizes = [1984, 8], strides = [1, 1]} : vector<2048x8xi32> to vector<1984x8xi32>
    %concatenate3A_86 = tpu.concatenate %broadcast_in_dim3A_84, %slice3A_85 in 0 : vector<64x8xi32>, vector<1984x8xi32> -> vector<2048x8xi32>
    %add3A_87 = arith.addi %add3A_82, %concatenate3A_86 : vector<2048x8xi32>
    %broadcast_in_dim3A_88 = arith.constant 0 : i32
    %broadcast_in_dim3A_89 = vector.broadcast %broadcast_in_dim3A_88 : i32 to vector<128x8xi32>
    %slice3A_90 = vector.extract_strided_slice %add3A_87 {offsets = [0, 0], sizes = [1920, 8], strides = [1, 1]} : vector<2048x8xi32> to vector<1920x8xi32>
    %concatenate3A_91 = tpu.concatenate %broadcast_in_dim3A_89, %slice3A_90 in 0 : vector<128x8xi32>, vector<1920x8xi32> -> vector<2048x8xi32>
    %add3A_92 = arith.addi %add3A_87, %concatenate3A_91 : vector<2048x8xi32>
    %broadcast_in_dim3A_93 = arith.constant 0 : i32
    %broadcast_in_dim3A_94 = vector.broadcast %broadcast_in_dim3A_93 : i32 to vector<256x8xi32>
    %slice3A_95 = vector.extract_strided_slice %add3A_92 {offsets = [0, 0], sizes = [1792, 8], strides = [1, 1]} : vector<2048x8xi32> to vector<1792x8xi32>
    %concatenate3A_96 = tpu.concatenate %broadcast_in_dim3A_94, %slice3A_95 in 0 : vector<256x8xi32>, vector<1792x8xi32> -> vector<2048x8xi32>
    %add3A_97 = arith.addi %add3A_92, %concatenate3A_96 : vector<2048x8xi32>
    %broadcast_in_dim3A_98 = arith.constant 0 : i32
    %broadcast_in_dim3A_99 = vector.broadcast %broadcast_in_dim3A_98 : i32 to vector<512x8xi32>
    %slice3A_100 = vector.extract_strided_slice %add3A_97 {offsets = [0, 0], sizes = [1536, 8], strides = [1, 1]} : vector<2048x8xi32> to vector<1536x8xi32>
    %concatenate3A_101 = tpu.concatenate %broadcast_in_dim3A_99, %slice3A_100 in 0 : vector<512x8xi32>, vector<1536x8xi32> -> vector<2048x8xi32>
    %add3A_102 = arith.addi %add3A_97, %concatenate3A_101 : vector<2048x8xi32>
    %broadcast_in_dim3A_103 = arith.constant 0 : i32
    %broadcast_in_dim3A_104 = vector.broadcast %broadcast_in_dim3A_103 : i32 to vector<1024x8xi32>
    %slice3A_105 = vector.extract_strided_slice %add3A_102 {offsets = [0, 0], sizes = [1024, 8], strides = [1, 1]} : vector<2048x8xi32> to vector<1024x8xi32>
    %concatenate3A_106 = tpu.concatenate %broadcast_in_dim3A_104, %slice3A_105 in 0 : vector<1024x8xi32>, vector<1024x8xi32> -> vector<2048x8xi32>
    %add3A_107 = arith.addi %add3A_102, %concatenate3A_106 : vector<2048x8xi32>
    %broadcast_in_dim3A_108 = arith.constant 0 : i32
    %broadcast_in_dim3A_109 = vector.broadcast %broadcast_in_dim3A_108 : i32 to vector<1x8xi32>
    %slice3A_110 = vector.extract_strided_slice %convert_element_type3A_54 {offsets = [0, 0], sizes = [2047, 8], strides = [1, 1]} : vector<2048x8xi32> to vector<2047x8xi32>
    %concatenate3A_111 = tpu.concatenate %broadcast_in_dim3A_109, %slice3A_110 in 0 : vector<1x8xi32>, vector<2047x8xi32> -> vector<2048x8xi32>
    %add3A_112 = arith.addi %convert_element_type3A_54, %concatenate3A_111 : vector<2048x8xi32>
    %broadcast_in_dim3A_113 = arith.constant 0 : i32
    %broadcast_in_dim3A_114 = vector.broadcast %broadcast_in_dim3A_113 : i32 to vector<2x8xi32>
    %slice3A_115 = vector.extract_strided_slice %add3A_112 {offsets = [0, 0], sizes = [2046, 8], strides = [1, 1]} : vector<2048x8xi32> to vector<2046x8xi32>
    %concatenate3A_116 = tpu.concatenate %broadcast_in_dim3A_114, %slice3A_115 in 0 : vector<2x8xi32>, vector<2046x8xi32> -> vector<2048x8xi32>
    %add3A_117 = arith.addi %add3A_112, %concatenate3A_116 : vector<2048x8xi32>
    %broadcast_in_dim3A_118 = arith.constant 0 : i32
    %broadcast_in_dim3A_119 = vector.broadcast %broadcast_in_dim3A_118 : i32 to vector<4x8xi32>
    %slice3A_120 = vector.extract_strided_slice %add3A_117 {offsets = [0, 0], sizes = [2044, 8], strides = [1, 1]} : vector<2048x8xi32> to vector<2044x8xi32>
    %concatenate3A_121 = tpu.concatenate %broadcast_in_dim3A_119, %slice3A_120 in 0 : vector<4x8xi32>, vector<2044x8xi32> -> vector<2048x8xi32>
    %add3A_122 = arith.addi %add3A_117, %concatenate3A_121 : vector<2048x8xi32>
    %broadcast_in_dim3A_123 = arith.constant 0 : i32
    %broadcast_in_dim3A_124 = vector.broadcast %broadcast_in_dim3A_123 : i32 to vector<8x8xi32>
    %slice3A_125 = vector.extract_strided_slice %add3A_122 {offsets = [0, 0], sizes = [2040, 8], strides = [1, 1]} : vector<2048x8xi32> to vector<2040x8xi32>
    %concatenate3A_126 = tpu.concatenate %broadcast_in_dim3A_124, %slice3A_125 in 0 : vector<8x8xi32>, vector<2040x8xi32> -> vector<2048x8xi32>
    %add3A_127 = arith.addi %add3A_122, %concatenate3A_126 : vector<2048x8xi32>
    %broadcast_in_dim3A_128 = arith.constant 0 : i32
    %broadcast_in_dim3A_129 = vector.broadcast %broadcast_in_dim3A_128 : i32 to vector<16x8xi32>
    %slice3A_130 = vector.extract_strided_slice %add3A_127 {offsets = [0, 0], sizes = [2032, 8], strides = [1, 1]} : vector<2048x8xi32> to vector<2032x8xi32>
    %concatenate3A_131 = tpu.concatenate %broadcast_in_dim3A_129, %slice3A_130 in 0 : vector<16x8xi32>, vector<2032x8xi32> -> vector<2048x8xi32>
    %add3A_132 = arith.addi %add3A_127, %concatenate3A_131 : vector<2048x8xi32>
    %broadcast_in_dim3A_133 = arith.constant 0 : i32
    %broadcast_in_dim3A_134 = vector.broadcast %broadcast_in_dim3A_133 : i32 to vector<32x8xi32>
    %slice3A_135 = vector.extract_strided_slice %add3A_132 {offsets = [0, 0], sizes = [2016, 8], strides = [1, 1]} : vector<2048x8xi32> to vector<2016x8xi32>
    %concatenate3A_136 = tpu.concatenate %broadcast_in_dim3A_134, %slice3A_135 in 0 : vector<32x8xi32>, vector<2016x8xi32> -> vector<2048x8xi32>
    %add3A_137 = arith.addi %add3A_132, %concatenate3A_136 : vector<2048x8xi32>
    %broadcast_in_dim3A_138 = arith.constant 0 : i32
    %broadcast_in_dim3A_139 = vector.broadcast %broadcast_in_dim3A_138 : i32 to vector<64x8xi32>
    %slice3A_140 = vector.extract_strided_slice %add3A_137 {offsets = [0, 0], sizes = [1984, 8], strides = [1, 1]} : vector<2048x8xi32> to vector<1984x8xi32>
    %concatenate3A_141 = tpu.concatenate %broadcast_in_dim3A_139, %slice3A_140 in 0 : vector<64x8xi32>, vector<1984x8xi32> -> vector<2048x8xi32>
    %add3A_142 = arith.addi %add3A_137, %concatenate3A_141 : vector<2048x8xi32>
    %broadcast_in_dim3A_143 = arith.constant 0 : i32
    %broadcast_in_dim3A_144 = vector.broadcast %broadcast_in_dim3A_143 : i32 to vector<128x8xi32>
    %slice3A_145 = vector.extract_strided_slice %add3A_142 {offsets = [0, 0], sizes = [1920, 8], strides = [1, 1]} : vector<2048x8xi32> to vector<1920x8xi32>
    %concatenate3A_146 = tpu.concatenate %broadcast_in_dim3A_144, %slice3A_145 in 0 : vector<128x8xi32>, vector<1920x8xi32> -> vector<2048x8xi32>
    %add3A_147 = arith.addi %add3A_142, %concatenate3A_146 : vector<2048x8xi32>
    %broadcast_in_dim3A_148 = arith.constant 0 : i32
    %broadcast_in_dim3A_149 = vector.broadcast %broadcast_in_dim3A_148 : i32 to vector<256x8xi32>
    %slice3A_150 = vector.extract_strided_slice %add3A_147 {offsets = [0, 0], sizes = [1792, 8], strides = [1, 1]} : vector<2048x8xi32> to vector<1792x8xi32>
    %concatenate3A_151 = tpu.concatenate %broadcast_in_dim3A_149, %slice3A_150 in 0 : vector<256x8xi32>, vector<1792x8xi32> -> vector<2048x8xi32>
    %add3A_152 = arith.addi %add3A_147, %concatenate3A_151 : vector<2048x8xi32>
    %broadcast_in_dim3A_153 = arith.constant 0 : i32
    %broadcast_in_dim3A_154 = vector.broadcast %broadcast_in_dim3A_153 : i32 to vector<512x8xi32>
    %slice3A_155 = vector.extract_strided_slice %add3A_152 {offsets = [0, 0], sizes = [1536, 8], strides = [1, 1]} : vector<2048x8xi32> to vector<1536x8xi32>
    %concatenate3A_156 = tpu.concatenate %broadcast_in_dim3A_154, %slice3A_155 in 0 : vector<512x8xi32>, vector<1536x8xi32> -> vector<2048x8xi32>
    %add3A_157 = arith.addi %add3A_152, %concatenate3A_156 : vector<2048x8xi32>
    %broadcast_in_dim3A_158 = arith.constant 0 : i32
    %broadcast_in_dim3A_159 = vector.broadcast %broadcast_in_dim3A_158 : i32 to vector<1024x8xi32>
    %slice3A_160 = vector.extract_strided_slice %add3A_157 {offsets = [0, 0], sizes = [1024, 8], strides = [1, 1]} : vector<2048x8xi32> to vector<1024x8xi32>
    %concatenate3A_161 = tpu.concatenate %broadcast_in_dim3A_159, %slice3A_160 in 0 : vector<1024x8xi32>, vector<1024x8xi32> -> vector<2048x8xi32>
    %add3A_162 = arith.addi %add3A_157, %concatenate3A_161 : vector<2048x8xi32>
    %slice3A_163 = vector.extract_strided_slice %add3A_107 {offsets = [2047, 0], sizes = [1, 8], strides = [1, 1]} : vector<2048x8xi32> to vector<1x8xi32>
    %slice3A_164 = vector.extract_strided_slice %add3A_162 {offsets = [2047, 0], sizes = [1, 8], strides = [1, 1]} : vector<2048x8xi32> to vector<1x8xi32>
    %add3A_165 = arith.addi %slice3A_163, %slice3A_164 : vector<1x8xi32>
    %add3A_166 = arith.constant 511 : i32
    %add3A_167 = vector.broadcast %add3A_166 : i32 to vector<1x8xi32>
    %add3A_168 = arith.addi %add3A_165, %add3A_167 : vector<1x8xi32>
    %shift_right_arithmetic3A = arith.constant 9 : i32
    %shift_right_arithmetic3A_169 = vector.broadcast %shift_right_arithmetic3A : i32 to vector<1x8xi32>
    %shift_right_arithmetic3A_170 = arith.shrsi %add3A_168, %shift_right_arithmetic3A_169 : vector<1x8xi32>
    %shift_left3A = arith.constant 9 : i32
    %shift_left3A_171 = vector.broadcast %shift_left3A : i32 to vector<1x8xi32>
    %shift_left3A_172 = arith.shli %shift_right_arithmetic3A_170, %shift_left3A_171 : vector<1x8xi32>
    %broadcast_in_dim3A_173 = arith.constant 0 : i32
    %broadcast_in_dim3A_174 = vector.broadcast %broadcast_in_dim3A_173 : i32 to vector<1x1xi32>
    %slice3A_175 = vector.extract_strided_slice %shift_left3A_172 {offsets = [0, 0], sizes = [1, 7], strides = [1, 1]} : vector<1x8xi32> to vector<1x7xi32>
    %concatenate3A_176 = tpu.concatenate %broadcast_in_dim3A_174, %slice3A_175 in 1 : vector<1x1xi32>, vector<1x7xi32> -> vector<1x8xi32>
    %broadcast_in_dim3A_177 = arith.constant 0 : i32
    %broadcast_in_dim3A_178 = vector.broadcast %broadcast_in_dim3A_177 : i32 to vector<1x1xi32>
    %slice3A_179 = vector.extract_strided_slice %concatenate3A_176 {offsets = [0, 0], sizes = [1, 7], strides = [1, 1]} : vector<1x8xi32> to vector<1x7xi32>
    %concatenate3A_180 = tpu.concatenate %broadcast_in_dim3A_178, %slice3A_179 in 1 : vector<1x1xi32>, vector<1x7xi32> -> vector<1x8xi32>
    %add3A_181 = arith.addi %concatenate3A_176, %concatenate3A_180 : vector<1x8xi32>
    %broadcast_in_dim3A_182 = arith.constant 0 : i32
    %broadcast_in_dim3A_183 = vector.broadcast %broadcast_in_dim3A_182 : i32 to vector<1x2xi32>
    %slice3A_184 = vector.extract_strided_slice %add3A_181 {offsets = [0, 0], sizes = [1, 6], strides = [1, 1]} : vector<1x8xi32> to vector<1x6xi32>
    %concatenate3A_185 = tpu.concatenate %broadcast_in_dim3A_183, %slice3A_184 in 1 : vector<1x2xi32>, vector<1x6xi32> -> vector<1x8xi32>
    %add3A_186 = arith.addi %add3A_181, %concatenate3A_185 : vector<1x8xi32>
    %broadcast_in_dim3A_187 = arith.constant 0 : i32
    %broadcast_in_dim3A_188 = vector.broadcast %broadcast_in_dim3A_187 : i32 to vector<1x4xi32>
    %slice3A_189 = vector.extract_strided_slice %add3A_186 {offsets = [0, 0], sizes = [1, 4], strides = [1, 1]} : vector<1x8xi32> to vector<1x4xi32>
    %concatenate3A_190 = tpu.concatenate %broadcast_in_dim3A_188, %slice3A_189 in 1 : vector<1x4xi32>, vector<1x4xi32> -> vector<1x8xi32>
    %add3A_191 = arith.addi %add3A_186, %concatenate3A_190 : vector<1x8xi32>
    %slice3A_192 = vector.extract_strided_slice %add3A_191 {offsets = [0, 7], sizes = [1, 1], strides = [1, 1]} : vector<1x8xi32> to vector<1x1xi32>
    %slice3A_193 = vector.extract_strided_slice %shift_left3A_172 {offsets = [0, 7], sizes = [1, 1], strides = [1, 1]} : vector<1x8xi32> to vector<1x1xi32>
    %add3A_194 = arith.addi %slice3A_192, %slice3A_193 : vector<1x1xi32>
    %mul3A = arith.muli %add3A_107, %convert_element_type3A : vector<2048x8xi32>
    %reduce_sum3A = arith.constant dense<0> : vector<2048xi32>
    %reduce_sum3A_195 = vector.multi_reduction <add>, %mul3A, %reduce_sum3A [1] : vector<2048x8xi32> to vector<2048xi32>
    %broadcast_in_dim3A_196 = vector.shape_cast %reduce_sum3A_195 : vector<2048xi32> to vector<2048x1xi32>
    %sub3A = arith.constant 1 : i32
    %sub3A_197 = vector.broadcast %sub3A : i32 to vector<2048x1xi32>
    %sub3A_198 = arith.subi %broadcast_in_dim3A_196, %sub3A_197 : vector<2048x1xi32>
    %mul3A_199 = vector.broadcast %slice3A_163 : vector<1x8xi32> to vector<2048x8xi32>
    %mul3A_200 = arith.muli %mul3A_199, %convert_element_type3A_54 : vector<2048x8xi32>
    %reduce_sum3A_201 = arith.constant dense<0> : vector<2048xi32>
    %reduce_sum3A_202 = vector.multi_reduction <add>, %mul3A_200, %reduce_sum3A_201 [1] : vector<2048x8xi32> to vector<2048xi32>
    %broadcast_in_dim3A_203 = vector.shape_cast %reduce_sum3A_202 : vector<2048xi32> to vector<2048x1xi32>
    %mul3A_204 = arith.muli %add3A_162, %convert_element_type3A_54 : vector<2048x8xi32>
    %reduce_sum3A_205 = arith.constant dense<0> : vector<2048xi32>
    %reduce_sum3A_206 = vector.multi_reduction <add>, %mul3A_204, %reduce_sum3A_205 [1] : vector<2048x8xi32> to vector<2048xi32>
    %broadcast_in_dim3A_207 = vector.shape_cast %reduce_sum3A_206 : vector<2048xi32> to vector<2048x1xi32>
    %add3A_208 = arith.addi %broadcast_in_dim3A_203, %broadcast_in_dim3A_207 : vector<2048x1xi32>
    %sub3A_209 = arith.constant 1 : i32
    %sub3A_210 = vector.broadcast %sub3A_209 : i32 to vector<2048x1xi32>
    %sub3A_211 = arith.subi %add3A_208, %sub3A_210 : vector<2048x1xi32>
    %mul3A_212 = vector.broadcast %add3A_191 : vector<1x8xi32> to vector<2048x8xi32>
    %mul3A_213 = arith.muli %mul3A_212, %convert_element_type3A : vector<2048x8xi32>
    %reduce_sum3A_214 = arith.constant dense<0> : vector<2048xi32>
    %reduce_sum3A_215 = vector.multi_reduction <add>, %mul3A_213, %reduce_sum3A_214 [1] : vector<2048x8xi32> to vector<2048xi32>
    %broadcast_in_dim3A_216 = vector.shape_cast %reduce_sum3A_215 : vector<2048xi32> to vector<2048x1xi32>
    %mul3A_217 = vector.broadcast %add3A_191 : vector<1x8xi32> to vector<2048x8xi32>
    %mul3A_218 = arith.muli %mul3A_217, %convert_element_type3A_54 : vector<2048x8xi32>
    %reduce_sum3A_219 = arith.constant dense<0> : vector<2048xi32>
    %reduce_sum3A_220 = vector.multi_reduction <add>, %mul3A_218, %reduce_sum3A_219 [1] : vector<2048x8xi32> to vector<2048xi32>
    %broadcast_in_dim3A_221 = vector.shape_cast %reduce_sum3A_220 : vector<2048xi32> to vector<2048x1xi32>
    %add3A_222 = arith.addi %broadcast_in_dim3A_216, %sub3A_198 : vector<2048x1xi32>
    %swap3A_223 = arith.constant 0 : index
    %swap3A_224 = arith.constant 0 : index
    %swap3A_225 = vector.load %arg3[%swap3A_223, %swap3A_224] : memref<2048x1xi32, #tpu.memory_space<vmem>>, vector<2048x1xi32>
    tpu.vector_store %arg3[%swap3A_223, %swap3A_224], %add3A_222 {strides = array<i32>} : memref<2048x1xi32, #tpu.memory_space<vmem>>, vector<2048x1xi32>,
    %add3A_226 = arith.addi %broadcast_in_dim3A_221, %sub3A_211 : vector<2048x1xi32>
    %swap3A_227 = arith.constant 0 : index
    %swap3A_228 = arith.constant 0 : index
    %swap3A_229 = vector.load %arg4[%swap3A_227, %swap3A_228] : memref<2048x1xi32, #tpu.memory_space<vmem>>, vector<2048x1xi32>
    tpu.vector_store %arg4[%swap3A_227, %swap3A_228], %add3A_226 {strides = array<i32>} : memref<2048x1xi32, #tpu.memory_space<vmem>>, vector<2048x1xi32>,
    %iota3A_230 = tpu.iota {dimensions = array<i32: 0>} : vector<16x8xi32>
    %mul3A_231 = arith.constant 512 : i32
    %mul3A_232 = vector.broadcast %mul3A_231 : i32 to vector<16x8xi32>
    %mul3A_233 = arith.muli %iota3A_230, %mul3A_232 : vector<16x8xi32>
    %broadcast_in_dim3A_234 = vector.shape_cast %add3A_191 : vector<1x8xi32> to vector<1x8xi32>
    %broadcast_in_dim3A_235 = vector.broadcast %broadcast_in_dim3A_234 : vector<1x8xi32> to vector<16x8xi32>
    %ge3A = arith.cmpi sge, %mul3A_233, %broadcast_in_dim3A_235 : vector<16x8xi32>
    %convert_element_type3A_236 = arith.extui %ge3A : vector<16x8xi1> to vector<16x8xi32>
    %reduce_sum3A_237 = arith.constant dense<0> : vector<16xi32>
    %reduce_sum3A_238 = vector.multi_reduction <add>, %convert_element_type3A_236, %reduce_sum3A_237 [1] : vector<16x8xi32> to vector<16xi32>
    %broadcast_in_dim3A_239 = vector.shape_cast %reduce_sum3A_238 : vector<16xi32> to vector<16x1xi32>
    %sub3A_240 = arith.constant 1 : i32
    %sub3A_241 = vector.broadcast %sub3A_240 : i32 to vector<16x1xi32>
    %sub3A_242 = arith.subi %broadcast_in_dim3A_239, %sub3A_241 : vector<16x1xi32>
    %slice3A_243 = vector.extract_strided_slice %mul3A_233 {offsets = [0, 0], sizes = [16, 1], strides = [1, 1]} : vector<16x8xi32> to vector<16x1xi32>
    %lt3A = vector.broadcast %add3A_194 : vector<1x1xi32> to vector<16x1xi32>
    %lt3A_244 = arith.cmpi slt, %slice3A_243, %lt3A : vector<16x1xi32>
    %convert_element_type3A_245 = arith.extui %lt3A_244 : vector<16x1xi1> to vector<16x1xi32>
    %jit3A_246 = arith.constant 0 : i32
    %jit3A_247 = arith.constant 7 : i32
    %max3A = vector.broadcast %jit3A_246 : i32 to vector<16x1xi32>
    %max3A_248 = arith.maxsi %max3A, %sub3A_242 : vector<16x1xi32>
    %min3A = vector.broadcast %jit3A_247 : i32 to vector<16x1xi32>
    %min3A_249 = arith.minsi %min3A, %max3A_248 : vector<16x1xi32>
    %swap3A_250 = arith.constant 0 : index
    %swap3A_251 = arith.constant 0 : index
    %swap3A_252 = vector.load %arg7[%swap3A_250, %swap3A_251] : memref<16x1xi32, #tpu.memory_space<vmem>>, vector<16x1xi32>
    tpu.vector_store %arg7[%swap3A_250, %swap3A_251], %min3A_249 {strides = array<i32>} : memref<16x1xi32, #tpu.memory_space<vmem>>, vector<16x1xi32>,
    %swap3A_253 = arith.constant 0 : index
    %swap3A_254 = arith.constant 0 : index
    %swap3A_255 = vector.load %arg8[%swap3A_253, %swap3A_254] : memref<16x1xi32, #tpu.memory_space<vmem>>, vector<16x1xi32>
    tpu.vector_store %arg8[%swap3A_253, %swap3A_254], %convert_element_type3A_245 {strides = array<i32>} : memref<16x1xi32, #tpu.memory_space<vmem>>, vector<16x1xi32>,
    return
  }
}

module attributes {stable_mosaic.version = 14 : i64} {
  func.func @_shared_ffn_kernel(%arg0: i32, %arg1: memref<512x1024xf32, #tpu.memory_space<vmem>>, %arg2: memref<1024x512xf32, #tpu.memory_space<vmem>>, %arg3: memref<1024x512xf32, #tpu.memory_space<vmem>>, %arg4: memref<512x1024xf32, #tpu.memory_space<vmem>>, %arg5: memref<1x512xf32, #tpu.memory_space<vmem>>, %arg6: memref<1x512xf32, #tpu.memory_space<vmem>>, %arg7: memref<1x1024xf32, #tpu.memory_space<vmem>>, %arg8: memref<512x1024xf32, #tpu.memory_space<vmem>>) attributes {dimension_semantics = [#tpu.dimension_semantics<arbitrary>], iteration_bounds = array<i64: 4>, scalar_prefetch = 0 : i64, scratch_operands = 0 : i64, tpu.core_type = #tpu.core_type<tc>, window_params = [{transform_indices = @transform_0, window_bounds = array<i64: 512, 1024>}, {pipeline_mode = #tpu.pipeline_mode<synchronous>, transform_indices = @transform_1, window_bounds = array<i64: 1024, 512>}, {pipeline_mode = #tpu.pipeline_mode<synchronous>, transform_indices = @transform_2, window_bounds = array<i64: 1024, 512>}, {pipeline_mode = #tpu.pipeline_mode<synchronous>, transform_indices = @transform_3, window_bounds = array<i64: 512, 1024>}, {pipeline_mode = #tpu.pipeline_mode<synchronous>, transform_indices = @transform_4, window_bounds = array<i64: 1, 512>}, {pipeline_mode = #tpu.pipeline_mode<synchronous>, transform_indices = @transform_5, window_bounds = array<i64: 1, 512>}, {pipeline_mode = #tpu.pipeline_mode<synchronous>, transform_indices = @transform_6, window_bounds = array<i64: 1, 1024>}, {transform_indices = @transform_7, window_bounds = array<i64: 512, 1024>}]} {
    %broadcast_in_dim3A = arith.constant 1.000000e+00 : f32
    %broadcast_in_dim3A_0 = vector.broadcast %broadcast_in_dim3A : f32 to vector<512x1xf32>
    %get3A = arith.constant 0 : index
    %get3A_1 = arith.constant 0 : index
    %get3A_2 = vector.load %arg1[%get3A, %get3A_1] : memref<512x1024xf32, #tpu.memory_space<vmem>>, vector<512x1024xf32>
    %get3A_3 = arith.constant 0 : index
    %get3A_4 = arith.constant 0 : index
    %get3A_5 = vector.load %arg2[%get3A_3, %get3A_4] : memref<1024x512xf32, #tpu.memory_space<vmem>>, vector<1024x512xf32>
    %get3A_6 = arith.constant 0 : index
    %get3A_7 = arith.constant 0 : index
    %get3A_8 = vector.load %arg5[%get3A_6, %get3A_7] : memref<1x512xf32, #tpu.memory_space<vmem>>, vector<1x512xf32>
    %get3A_9 = arith.constant 0 : index
    %get3A_10 = arith.constant 0 : index
    %get3A_11 = vector.load %arg3[%get3A_9, %get3A_10] : memref<1024x512xf32, #tpu.memory_space<vmem>>, vector<1024x512xf32>
    %get3A_12 = arith.constant 0 : index
    %get3A_13 = arith.constant 0 : index
    %get3A_14 = vector.load %arg6[%get3A_12, %get3A_13] : memref<1x512xf32, #tpu.memory_space<vmem>>, vector<1x512xf32>
    %get3A_15 = arith.constant 0 : index
    %get3A_16 = arith.constant 0 : index
    %get3A_17 = vector.load %arg4[%get3A_15, %get3A_16] : memref<512x1024xf32, #tpu.memory_space<vmem>>, vector<512x1024xf32>
    %get3A_18 = arith.constant 0 : index
    %get3A_19 = arith.constant 0 : index
    %get3A_20 = vector.load %arg7[%get3A_18, %get3A_19] : memref<1x1024xf32, #tpu.memory_space<vmem>>, vector<1x1024xf32>
    %dot_general3A = arith.constant dense<0.000000e+00> : vector<512x512xf32>
    %dot_general3A_21 = tpu.matmul %get3A_2, %get3A_5, %dot_general3A {dimension_numbers = #tpu.dot_dimension_numbers<[1], [0], [0], [1], [0, 0, 1, 1], [], []>, transpose_lhs_hint = false} : vector<512x1024xf32>, vector<1024x512xf32>, vector<512x512xf32> -> vector<512x512xf32>
    %add3A = vector.broadcast %get3A_8 : vector<1x512xf32> to vector<512x512xf32>
    %add3A_22 = arith.addf %dot_general3A_21, %add3A : vector<512x512xf32>
    %dot_general3A_23 = arith.constant dense<0.000000e+00> : vector<512x512xf32>
    %dot_general3A_24 = tpu.matmul %get3A_2, %get3A_11, %dot_general3A_23 {dimension_numbers = #tpu.dot_dimension_numbers<[1], [0], [0], [1], [0, 0, 1, 1], [], []>, transpose_lhs_hint = false} : vector<512x1024xf32>, vector<1024x512xf32>, vector<512x512xf32> -> vector<512x512xf32>
    %add3A_25 = vector.broadcast %get3A_14 : vector<1x512xf32> to vector<512x512xf32>
    %add3A_26 = arith.addf %dot_general3A_24, %add3A_25 : vector<512x512xf32>
    %logistic3A = arith.negf %add3A_22 : vector<512x512xf32>
    %logistic3A_27 = math.exp %logistic3A : vector<512x512xf32>
    %logistic3A_28 = arith.constant 1.000000e+00 : f32
    %logistic3A_29 = vector.broadcast %logistic3A_28 : f32 to vector<512x512xf32>
    %logistic3A_30 = arith.addf %logistic3A_29, %logistic3A_27 : vector<512x512xf32>
    %logistic3A_31 = arith.divf %logistic3A_29, %logistic3A_30 : vector<512x512xf32>
    %mul3A = arith.mulf %add3A_22, %logistic3A_31 : vector<512x512xf32>
    %mul3A_32 = arith.mulf %mul3A, %add3A_26 : vector<512x512xf32>
    %dot_general3A_33 = arith.constant dense<0.000000e+00> : vector<512x1024xf32>
    %dot_general3A_34 = tpu.matmul %mul3A_32, %get3A_17, %dot_general3A_33 {dimension_numbers = #tpu.dot_dimension_numbers<[1], [0], [0], [1], [0, 0, 1, 1], [], []>, transpose_lhs_hint = false} : vector<512x512xf32>, vector<512x1024xf32>, vector<512x1024xf32> -> vector<512x1024xf32>
    %add3A_35 = vector.broadcast %get3A_20 : vector<1x1024xf32> to vector<512x1024xf32>
    %add3A_36 = arith.addf %dot_general3A_34, %add3A_35 : vector<512x1024xf32>
    %mul3A_37 = vector.broadcast %broadcast_in_dim3A_0 : vector<512x1xf32> to vector<512x1024xf32>
    %mul3A_38 = arith.mulf %add3A_36, %mul3A_37 : vector<512x1024xf32>
    %swap3A = arith.constant 0 : index
    %swap3A_39 = arith.constant 0 : index
    %swap3A_40 = vector.load %arg8[%swap3A, %swap3A_39] : memref<512x1024xf32, #tpu.memory_space<vmem>>, vector<512x1024xf32>
    tpu.vector_store %arg8[%swap3A, %swap3A_39], %mul3A_38 {strides = array<i32>} : memref<512x1024xf32, #tpu.memory_space<vmem>>, vector<512x1024xf32>,
    return
  }
  func.func @transform_0(%arg0: i32) -> (i32, i32) {
    %c0_i32 = arith.constant 0 : i32
    %c0_i32_0 = arith.constant 0 : i32
    return %arg0, %c0_i32 : i32, i32
  }
  func.func @transform_1(%arg0: i32) -> (i32, i32) {
    %c0_i32 = arith.constant 0 : i32
    %c0_i32_0 = arith.constant 0 : i32
    %c0_i32_1 = arith.constant 0 : i32
    return %c0_i32, %c0_i32_0 : i32, i32
  }
  func.func @transform_2(%arg0: i32) -> (i32, i32) {
    %c0_i32 = arith.constant 0 : i32
    %c0_i32_0 = arith.constant 0 : i32
    %c0_i32_1 = arith.constant 0 : i32
    return %c0_i32, %c0_i32_0 : i32, i32
  }
  func.func @transform_3(%arg0: i32) -> (i32, i32) {
    %c0_i32 = arith.constant 0 : i32
    %c0_i32_0 = arith.constant 0 : i32
    %c0_i32_1 = arith.constant 0 : i32
    return %c0_i32, %c0_i32_0 : i32, i32
  }
  func.func @transform_4(%arg0: i32) -> (i32, i32) {
    %c0_i32 = arith.constant 0 : i32
    %c0_i32_0 = arith.constant 0 : i32
    %c0_i32_1 = arith.constant 0 : i32
    return %c0_i32, %c0_i32_0 : i32, i32
  }
  func.func @transform_5(%arg0: i32) -> (i32, i32) {
    %c0_i32 = arith.constant 0 : i32
    %c0_i32_0 = arith.constant 0 : i32
    %c0_i32_1 = arith.constant 0 : i32
    return %c0_i32, %c0_i32_0 : i32, i32
  }
  func.func @transform_6(%arg0: i32) -> (i32, i32) {
    %c0_i32 = arith.constant 0 : i32
    %c0_i32_0 = arith.constant 0 : i32
    %c0_i32_1 = arith.constant 0 : i32
    return %c0_i32, %c0_i32_0 : i32, i32
  }
  func.func @transform_7(%arg0: i32) -> (i32, i32) {
    %c0_i32 = arith.constant 0 : i32
    %c0_i32_0 = arith.constant 0 : i32
    return %arg0, %c0_i32 : i32, i32
  }
}

module attributes {stable_mosaic.version = 14 : i64} {
  func.func @_add3_kernel(%arg0: i32, %arg1: memref<1x512x1024xf32, #tpu.memory_space<vmem>>, %arg2: memref<1x512x1024xf32, #tpu.memory_space<vmem>>, %arg3: memref<512x1024xf32, #tpu.memory_space<vmem>>, %arg4: memref<512x1024xf32, #tpu.memory_space<vmem>>) attributes {dimension_semantics = [#tpu.dimension_semantics<arbitrary>], iteration_bounds = array<i64: 4>, scalar_prefetch = 0 : i64, scratch_operands = 0 : i64, tpu.core_type = #tpu.core_type<tc>, window_params = [{transform_indices = @transform_0, window_bounds = array<i64: 1, 512, 1024>}, {transform_indices = @transform_1, window_bounds = array<i64: 1, 512, 1024>}, {transform_indices = @transform_2, window_bounds = array<i64: 512, 1024>}, {transform_indices = @transform_3, window_bounds = array<i64: 512, 1024>}]} {
    %get3A = arith.constant 0 : index
    %get3A_0 = arith.constant 0 : index
    %get3A_1 = arith.constant 0 : index
    %get3A_2 = vector.load %arg1[%get3A, %get3A_0, %get3A_1] : memref<1x512x1024xf32, #tpu.memory_space<vmem>>, vector<1x512x1024xf32>
    %get3A_3 = vector.shape_cast %get3A_2 : vector<1x512x1024xf32> to vector<512x1024xf32>
    %get3A_4 = arith.constant 0 : index
    %get3A_5 = arith.constant 0 : index
    %get3A_6 = arith.constant 0 : index
    %get3A_7 = vector.load %arg2[%get3A_4, %get3A_5, %get3A_6] : memref<1x512x1024xf32, #tpu.memory_space<vmem>>, vector<1x512x1024xf32>
    %get3A_8 = vector.shape_cast %get3A_7 : vector<1x512x1024xf32> to vector<512x1024xf32>
    %add3A = arith.addf %get3A_3, %get3A_8 : vector<512x1024xf32>
    %get3A_9 = arith.constant 0 : index
    %get3A_10 = arith.constant 0 : index
    %get3A_11 = vector.load %arg3[%get3A_9, %get3A_10] : memref<512x1024xf32, #tpu.memory_space<vmem>>, vector<512x1024xf32>
    %add3A_12 = arith.addf %add3A, %get3A_11 : vector<512x1024xf32>
    %swap3A = arith.constant 0 : index
    %swap3A_13 = arith.constant 0 : index
    %swap3A_14 = vector.load %arg4[%swap3A, %swap3A_13] : memref<512x1024xf32, #tpu.memory_space<vmem>>, vector<512x1024xf32>
    tpu.vector_store %arg4[%swap3A, %swap3A_13], %add3A_12 {strides = array<i32>} : memref<512x1024xf32, #tpu.memory_space<vmem>>, vector<512x1024xf32>,
    return
  }
  func.func @transform_0(%arg0: i32) -> (i32, i32, i32) {
    %c0_i32 = arith.constant 0 : i32
    %c0_i32_0 = arith.constant 0 : i32
    %c0_i32_1 = arith.constant 0 : i32
    return %c0_i32, %arg0, %c0_i32_0 : i32, i32, i32
  }
  func.func @transform_1(%arg0: i32) -> (i32, i32, i32) {
    %c1_i32 = arith.constant 1 : i32
    %c0_i32 = arith.constant 0 : i32
    %c0_i32_0 = arith.constant 0 : i32
    return %c1_i32, %arg0, %c0_i32 : i32, i32, i32
  }
  func.func @transform_2(%arg0: i32) -> (i32, i32) {
    %c0_i32 = arith.constant 0 : i32
    %c0_i32_0 = arith.constant 0 : i32
    return %arg0, %c0_i32 : i32, i32
  }
  func.func @transform_3(%arg0: i32) -> (i32, i32) {
    %c0_i32 = arith.constant 0 : i32
    %c0_i32_0 = arith.constant 0 : i32
    return %arg0, %c0_i32 : i32, i32
  }
}

</mosaic_0001>

<sc_bundles>
// kernel: kernel.11.cloned.1.call-start
scs
__scs_entry_jumppad:
0x0: {  	(pc) =	sbr.rel $0x88, $3  }
0x1: {  	(tag) =	ssettag $0x0;
	lr =	simm.s32 $0x1  }
0x2: {  	[smem:$0x3F92] =	sst lr;
	_ =	strace $0xD0000000  }
0x3: {  	_ = 	snop  }
0x4: {  	_ = 	snop  }
0x5: {  	_ = 	snop  }
0x6: {  	_ = 	snop  }
0x7: {  	_ = 	snop  }
__scs_overlays_trampoline_lowered:
0x8: {  	[smem:$0x3FA1] =	sst s0  }
0x9: {  	[smem:$0x3FA2] =	sst s1  }
0xa: {  	[smem:$0x3FA3] =	sst s2  }
0xb: {  	[smem:$0x3FA4] =	sst s3  }
0xc: {  	[smem:$0x3FA5] =	sst s4  }
0xd: {  	[smem:$0x3FA6] =	sst s5  }
0xe: {  	[smem:$0x3FA7] =	sst s6  }
0xf: {  	[smem:$0x3FA8] =	sst s7  }
0x10: {  	[smem:$0x3FA9] =	sst s8  }
0x11: {  	[smem:$0x3FAA] =	sst s9;
	s0 =	simm.s32 @!p0 $0x0  }
0x12: {  	s1 =	sld [smem:$0x3F90];
	s0 =	simm.s32 @p0 $0x1  }
0x13: {  	[smem:$0x3FAB] =	sst s0;
	s0 =	simm.s32 @!p1 $0x0  }
0x14: {  	s2 =	sld [smem:$0x3F8F];
	s0 =	simm.s32 @p1 $0x1  }
0x15: {  	[smem:$0x3FAC] =	sst s0;
	s0 =	simm.s32 @!p2 $0x0  }
0x16: {  	s3 =	sld [smem:$0x3FDB];
	s0 =	simm.s32 @p2 $0x1  }
0x17: {  	s4 =	simm.s32 $0x1BF5;
	[smem:$0x3FAE] =	sst s0  }
0x18: {  	s0 =	sld [smem:$0x3F91];
	_ =	swait.ge [sflag:s4], $0x0  }
0x19: {  	s7 =	sld [smem:$0x3F92]  }
0x1a: {  	s8 =	sadd.s32 $0xFFFFE003, lr  }
0x1b: {  	s9 =	sadd.s32 $0xFFFFFEF7, lr;
	s5 =	simm.s32 $0xFFFFFFFF;
	p2 =	slt.u32 s8, $0xFFFFF086  }
0x1c: {  	p1 =	slt.u32 s9, $0xF7A;
	s5 =	simm.s32 @!p2 $0x0  }
0x1d: {  	s5 =	simm.s32 @p1 $0x1;
	p0 =	seq.s32 s7, s2  }
0x1e: {  	s7 =	smul.u32 @!p0 $0xF7A, s2;
	p2 =	seq.s32 @!p0 s5, $0x0  }
0x1f: {  	s9 =	smul.u32 $0xF7A, s1;
	s8 =	simm.s32 @!p0 $0x1BF5;
	p2 =	por !p2, p0  }
0x20: {  	[sflag:s8] =	ssyncset.s32 @!p0 $0xFFFFF086;
	s6 =	sadd.s32 @!p0 s3, s7;
	s7 =	simm.s32 @!p0 $0x108  }
0x21: {  	s3 =	sadd.s32 s3, s9;
	s6 =	sadd.s32 @!p0 $0x88, s6;
	s7 =	simm.s32 @p2 $0x1082  }
0x22: {  	[simem:s7], [sflag:s8] =	dma.local @!p0 [hbm:s6], $0xF7A  }
0x23: {  	s9 =	sor.u32 $0xD0000000, s2;
	s6 =	simm.s32 $0x108;
	_ =	swait.ge @!p0 [sflag:s8], $0x0  }
0x24: {  	s3 =	sadd.s32 $0x88, s3;
	s6 =	simm.s32 @!p1 $0x1082;
	[sflag:s4] =	ssyncset.s32 $0xFFFFF086  }
0x25: {  	[simem:s6], [sflag:s4] =	dma.local [hbm:s3], $0xF7A  }
0x26: {  	[smem:$0x3F92] =	sst s1;
	(tag) =	ssettag s2;
	_ =	strace s9  }
0x27: {  	s1 =	sld [smem:$0x3FA2]  }
0x28: {  	s2 =	sld [smem:$0x3FA3]  }
0x29: {  	s4 =	sld [smem:$0x3FA5]  }
0x2a: {  	p0 =	seq.s32 s5, $0x0;
	s5 =	sld [smem:$0x3FA6]  }
0x2b: {  	s6 =	sld [smem:$0x3FA7]  }
0x2c: {  	s7 =	sld [smem:$0x3FA8]  }
0x2d: {  	s3 =	simm.s32 $0x108;
	s8 =	sld [smem:$0x3FA9]  }
0x2e: {  	s3 =	simm.s32 @!p0 $0x1082;
	s9 =	sld [smem:$0x3FAA]  }
0x2f: {  	lr =	sadd.s32 s0, s3;
	s0 =	sld [smem:$0x3FA1]  }
0x30: {  	s3 =	sld [smem:$0x3FA4]  }
0x31: {  	[smem:$0x3FAD] =	sst s10  }
0x32: {  	s10 =	sld [smem:$0x3FAB];
	_ =	sdelay $0x3  }
0x33: {  	p0 =	seq.s32 s10, $0x1;
	s10 =	sld [smem:$0x3FAD];
	_ =	sdelay $0x3  }
0x34: {  	[smem:$0x3FAD] =	sst s10  }
0x35: {  	s10 =	sld [smem:$0x3FAC];
	_ =	sdelay $0x3  }
0x36: {  	p1 =	seq.s32 s10, $0x1;
	s10 =	sld [smem:$0x3FAD];
	_ =	sdelay $0x3  }
0x37: {  	[smem:$0x3FAD] =	sst s10  }
0x38: {  	s10 =	sld [smem:$0x3FAE]  }
0x39: {  	_ = 	snop;
	(pc) =	sbr.ind lr, $3  }
0x3a: {  	_ = 	snop  }
0x3b: {  	_ = 	snop  }
0x3c: {  	p2 =	seq.s32 s10, $0x1;
	s10 =	sld [smem:$0x3FAD]  }
0x3d: {  	_ =	shalt  }
0x3e: {  	_ =	shalt  }
0x3f: {  	_ =	shalt  }
0x40: {  	_ =	shalt  }
0x41: {  	_ =	shalt  }
0x42: {  	_ =	shalt  }
0x43: {  	_ =	shalt  }
0x44: {  	_ =	shalt  }
0x45: {  	_ =	shalt  }
0x46: {  	_ =	shalt  }
0x47: {  	_ =	shalt  }
0x48: {  	_ =	shalt  }
0x49: {  	_ =	shalt  }
0x4a: {  	_ =	shalt  }
0x4b: {  	_ =	shalt  }
0x4c: {  	_ =	shalt  }
0x4d: {  	_ =	shalt  }
0x4e: {  	_ =	shalt  }
0x4f: {  	_ =	shalt  }
0x50: {  	_ =	shalt  }
0x51: {  	_ =	shalt  }
0x52: {  	_ =	shalt  }
0x53: {  	_ =	shalt  }
0x54: {  	_ =	shalt  }
0x55: {  	_ =	shalt  }
0x56: {  	_ =	shalt  }
0x57: {  	_ =	shalt  }
0x58: {  	_ =	shalt  }
0x59: {  	_ =	shalt  }
0x5a: {  	_ =	shalt  }
0x5b: {  	_ =	shalt  }
0x5c: {  	_ =	shalt  }
0x5d: {  	_ =	shalt  }
0x5e: {  	_ =	shalt  }
0x5f: {  	_ =	shalt  }
0x60: {  	_ =	shalt  }
0x61: {  	_ =	shalt  }
0x62: {  	_ =	shalt  }
0x63: {  	_ =	shalt  }
0x64: {  	_ =	shalt  }
0x65: {  	_ =	shalt  }
0x66: {  	_ =	shalt  }
0x67: {  	_ =	shalt  }
0x68: {  	_ =	shalt  }
0x69: {  	_ =	shalt  }
0x6a: {  	_ =	shalt  }
0x6b: {  	_ =	shalt  }
0x6c: {  	_ =	shalt  }
0x6d: {  	_ =	shalt  }
0x6e: {  	_ =	shalt  }
0x6f: {  	_ =	shalt  }
0x70: {  	_ =	shalt  }
0x71: {  	_ =	shalt  }
0x72: {  	_ =	shalt  }
0x73: {  	_ =	shalt  }
0x74: {  	_ =	shalt  }
0x75: {  	_ =	shalt  }
0x76: {  	_ =	shalt  }
0x77: {  	_ =	shalt  }
0x78: {  	_ =	shalt  }
0x79: {  	_ =	shalt  }
0x7a: {  	_ =	shalt  }
0x7b: {  	_ =	shalt  }
0x7c: {  	_ =	shalt  }
0x7d: {  	_ =	shalt  }
0x7e: {  	_ =	shalt  }
0x7f: {  	_ =	shalt  }
0x80: {  	_ =	shalt  }
0x81: {  	_ =	shalt  }
0x82: {  	_ =	shalt  }
0x83: {  	_ =	shalt  }
0x84: {  	_ =	shalt  }
0x85: {  	_ =	shalt  }
0x86: {  	_ =	shalt  }
0x87: {  	_ =	shalt  }
.Lfunc_end0:
.L_simem_size_0:
called_computation.1_lowered:
.L_overlay_start_0:
0x88: {  	s2 =	sld [smem:$0x3FD9]  }
0x89: {  	s3 =	sld [smem:$0x3FFE];
	_ =	sdelay $0x1  }
0x8a: {  	s1 =	srdreg.scid  }
0x8b: {  	s0 =	sand.u32 $0x1, s1  }
0x8c: {  	s16 =	sshll.u32 s0, $0xA;
	s2 =	sadd.s32 s3, s2  }
0x8d: {  	s2 =	sadd.s32 s2, s16  }
0x8e: {  	[smem:$0x3FB9] =	sst s2  }
0x8f: {  	_ = 	snop  }
0x90: {  	(tm) =	ssettm $0x1  }
0x91: {  	s17 =	sld [smem:$0x3FFB];
	_ =	sdelay $0x3  }
0x92: {  	_ =	strace s17  }
0x93: {  	s2 =	sld [smem:$0x3FFC];
	_ =	sdelay $0x3  }
0x94: {  	_ =	strace s2  }
0x95: {  	s2 =	sld [smem:$0x3FFD];
	_ =	sdelay $0x3  }
0x96: {  	_ =	strace s2  }
0x97: {  	_ =	strace $0x8FFFFFFF  }
0x98: {  	s18 =	sld [smem:$0x3FDB];
	_ =	sdelay $0x1  }
0x99: {  	s19 =	simm.s32 $_scs_section_size  }
0x9a: {  	s4 =	simm.s32 $_size__tile_overlayer_lowered;
	s5 =	simm.s32 $_tile_overlayer_lowered  }
0x9b: {  	s22 =	simm.s32 $0x1BFF;
	s21 =	sshll.u32 s5, $0x1;
	s2 =	sadd.s32 s19, s18  }
0x9c: {  	s6 =	simm.s32 $0x0;
	s20 =	sshll.u32 s4, $0x1;
	s4 =	sadd.s32 s21, s2  }
0x9d: {  	[timem:s6], [sflag:s22] =	dma.local [hbm:s4], s20  }
0x9e: {  	_ =	swait.ge [sflag:s22], s20  }
0x9f: {  	s3 =	ssub.s32 $0x0, s20;
	[sflag:s22] =	ssyncset.done $0x0  }
0xa0: {  	[sflag:s22] =	ssyncadd.s32 s3;
	_ =	sdelay $0x1  }
0xa1: {  	s23 =	simm.s32 $0x1B8B  }
0xa2: {  	_ =	swait.ge [sflag:s23], $0x1  }
0xa3: {  	[sflag:s23] =	ssyncset.done $0x0  }
0xa4: {  	s25 =	simm.s32 $0x1B8E;
	s24 =	sld [smem:$0x3FFE];
	[sflag:s23] =	ssyncadd.s32 $0xFFFFFFFF  }
0xa5: {  	s26 =	simm.s32 $execute0_lowered;
	[smem:$0x3FD2] =	sst s25  }
0xa6: {  	s4 =	sshll.u32 s26, $0x1;
	_ =	strace $0x80000049;
	[dreg:$0x1] =	wrdreg $0xFFFFFFFF  }
0xa7: {  	s28 =	simm.s32 $_size_execute0_lowered;
	s2 =	sadd.s32 s2, s4;
	[dreg:$0x0] =	wrdreg $0x0  }
0xa8: {  	s4 =	sshll.u32 s28, $0x1;
	[dreg:$0x2] =	wrdreg s2  }
0xa9: {  	[dreg:$0x3] =	wrdreg s4  }
0xaa: {  	[dreg:$0x4] =	wrdreg $0xC0  }
0xab: {  	_ =	task [dreg:s6], $0x5FFFF  }
0xac: {  	[dreg:$0x1] =	wrdreg $0xFFFFFFFF  }
0xad: {  	[dreg:$0x0] =	wrdreg $0x60  }
0xae: {  	[dreg:$0x2] =	wrdreg s24  }
0xaf: {  	[dreg:$0x3] =	wrdreg $0x9  }
0xb0: {  	_ =	task.clear_ibuf [dreg:s6], $0x4FFFF;
	_ =	strace $0x90000049  }
0xb1: {  	s29 =	simm.s32 $0x9;
	_ =	strace $0x8000004B  }
0xb2: {  	_ =	swait.ge [sflag:s29], $0x1  }
0xb3: {  	[sflag:s29] =	ssyncadd.s32 $0xFFFFFFFF  }
0xb4: {  	_ =	strace $0x9000004B  }
0xb5: {  	_ =	sfence  }
0xb6: {  	s30 =	sld [smem:$0x0];
	_ =	sdelay $0x2  }
0xb7: {  	s31 =	sshll.u32 s1, $0xD;
	s1 =	sshrl.u32 s1, $0x2  }
0xb8: {  	s3 =	sand.u32 $0x4000, s31;
	s1 =	sadd.s32 s1, s30  }
0xb9: {  	s0 =	sor.u32 s3, s0;
	s1 =	sshll.u32 s1, $0x11  }
0xba: {  	s0 =	sor.u32 s1, s0  }
0xbb: {  	s0 =	sadd.s32 $0x8F2B, s0  }
0xbc: {  	[sflag:s0] =	ssyncadd.remote.s32 $0x1  }
0xbd: {  	_ =	sfence.sel $0xFFFF  }
0xbe: {  	[dreg:$0x0] =	wrdreg $0xFFFFFFFF;
	(pc) =	sbr.abs _section_cstart, $3  }
0xbf: {  	[dreg:$0x1] =	wrdreg $0xFFFFFFFF  }
0xc0: {  	_ =	task.clear_ibuf [dreg:s6], $0x2FFFF;
	_ =	strace $0x9FFFFFFF  }
0xc1: {  	(tm) =	ssettm $0x7FFFFFFF  }
tec
execute0_lowered:
.L_overlay_start_1:
0x0: {  	(tag) =	ssettag $0x1  }
0x1: {  	s6 =	rddreg [dreg:$0x0]  }
0x2: {  	s3 =	srdreg.scid;
	s2 =	simm.s32 $0x0;
	s1 =	stileid.u32  }
0x3: {  	s12 =	simm.s32 $0x900;
	s13 =	simm.s32 $0x1100;
	s14 =	simm.s32 $0x1900  }
0x4: {  	s15 =	simm.s32 $0x2100;
	s16 =	simm.s32 $0x2900;
	s17 =	simm.s32 $0x3100  }
0x5: {  	s18 =	simm.s32 $0x3900;
	s19 =	simm.s32 $0x4100;
	s20 =	simm.s32 $0x4900  }
0x6: {  	s21 =	simm.s32 $0x5100;
	s22 =	simm.s32 $0x5900;
	s23 =	simm.s32 $0x6100  }
0x7: {  	s24 =	simm.s32 $0x6900;
	s25 =	simm.s32 $0x7100;
	s28 =	simm.s32 $0x1  }
0x8: {  	s29 =	simm.s32 $0x0;
	s7 =	sand.u32 $0x1, s3;
	[smem:$0x7FF] =	sst s2  }
0x9: {  	s26 =	sshll.u32 s1, $0x7;
	s3 =	sadd.s32 $0x112800, s6;
	s5 =	sshll.u32 s1, $0xE  }
0xa: {  	s4 =	sshll.u32 s7, $0x6;
	_ =	strace $0x8000004A;
	s8 =	sadd.s32 s5, s6  }
0xb: {  	s10 =	ssub.s32 $0x2, s7;
	s5 =	sadd.s32 $0x112A00, s6;
	s30 =	sshll.u32 s7, $0xD  }
0xc: {  	s4 =	sor.u32 s4, s26;
	s11 =	sshrl.u32 s10, $0x1;
	s8 =	sadd.s32 s30, s8  }
0xd: {  	s26 =	simm.s32 $0x7900;
	s4 =	sshrl.u32 s4, $0x3;
	s10 =	ssub.s32 s10, s11  }
0xe: {  	s8 =	sadd.s32 $0x52800, s8;
	s9 =	sadd.s32 s4, s6;
	s4 =	sadd.s32 $0x112900, s6  }
0xf: {  	v2 =	vlaneseq.u32;
	s11 =	simm.s32 $0x100;
	s6 =	sadd.s32 $0x112B00, s6;
	s31 =	sadd.s32 $0x12600, s9  }
0x10: {  	vm0 =	vmmov $0xffff;
	v1 =	vshrl.u32 v2, $0x3;
	s7 =	smax.u32 s10, $0x1;
	s9 =	sadd.s32 $0x12400, s9;
	[dreg:$0x2] =	wrdreg s31  }
0x11: {  	v0 =	vand.u32 $0x7, v2;
	v2 =	vor.u32 $0x8, v2;
	v1 =	vmul.u32 $0x8, v1;
	s10 =	simm.s32 $0x80;
	[dreg:$0x3] =	wrdreg s9;
	s9 =	simm.s32 $0x2  }
.LBB2_1:
0x12: {  	s30 =	smov.u32 s8;
	s31 =	simm.s32 $0x0  }
.LBB2_2:
0x13: {  	s0 =	rddreg [dreg:$0x3]  }
0x14: {  	s0 =	sadd.s32 s31, s0  }
0x15: {  	[tilespmem:s2], [sflag:$0x2] =	stream.linear.gather [hbm4b:s0+s2], $0x10, $0x38;
	[tilespmem:$0x8100] =	vst v63  }
0x16: {  	_ =	swait.ge [sflag:s9], $0x10  }
0x17: {  	s0 =	rddreg [dreg:$0x2];
	[sflag:s9] =	ssyncset.done $0x0  }
0x18: {  	[sflag:s9] =	ssyncadd.s32 $0xFFFFFFF0;
	s0 =	sadd.s32 s31, s0  }
0x19: {  	[tilespmem:s10], [sflag:$0x2] =	stream.linear.gather [hbm4b:s0+s2], $0x10, $0x38;
	[tilespmem:$0x8100] =	vst v63  }
0x1a: {  	_ =	swait.ge [sflag:s9], $0x10  }
0x1b: {  	[sflag:s9] =	ssyncset.done $0x0  }
0x1c: {  	[sflag:s9] =	ssyncadd.s32 $0xFFFFFFF0  }
0x1d: {  	v3 =	vld [tilespmem:$0x0];
	_ =	sdelay $0x4  }
0x1e: {  	v4 =	vshll.u32 v3, $0x3  }
0x1f: {  	v3 =	vand.u32 $0x7, v3;
	v4 =	vand.u32 $0xFFFFFFC0, v4  }
0x20: {  	v3 =	vor.u32 v3, v4  }
0x21: {  	v4 =	vperm.xlane v3, v0;
	_ =	sdelay $0x1  }
0x22: {  	v4 =	vadd.s32 v1, v4;
	_ =	sdelay $0x4  }
0x23: {  	[tilespmem:s11], [sflag:$0x1] =	stream.indirect_vreg.gather [hbm4b:s3+s2], $0x80, v4, vm0, $0xb8;
	[tilespmem:$0x8100] =	vst v63  }
0x24: {  	v3 =	vperm.xlane v3, v2  }
0x25: {  	[tilespmem:s12], [sflag:$0x1] =	stream.indirect_vreg.gather [hbm4b:s4+s2], $0x80, v4, vm0, $0xb8;
	[tilespmem:$0x8100] =	vst v63  }
0x26: {  	v3 =	vadd.s32 v1, v3  }
0x27: {  	[tilespmem:s13], [sflag:$0x1] =	stream.indirect_vreg.gather [hbm4b:s5+s2], $0x80, v4, vm0, $0xb8;
	[tilespmem:$0x8100] =	vst v63  }
0x28: {  	_ = 	snop  }
0x29: {  	[tilespmem:s14], [sflag:$0x1] =	stream.indirect_vreg.gather [hbm4b:s6+s2], $0x80, v4, vm0, $0xb8;
	[tilespmem:$0x8100] =	vst v63  }
0x2a: {  	_ = 	snop  }
0x2b: {  	[tilespmem:s15], [sflag:$0x1] =	stream.indirect_vreg.gather [hbm4b:s3+s2], $0x80, v3, vm0, $0xb8;
	[tilespmem:$0x8100] =	vst v63  }
0x2c: {  	_ = 	snop  }
0x2d: {  	[tilespmem:s16], [sflag:$0x1] =	stream.indirect_vreg.gather [hbm4b:s4+s2], $0x80, v3, vm0, $0xb8;
	[tilespmem:$0x8100] =	vst v63  }
0x2e: {  	_ = 	snop  }
0x2f: {  	[tilespmem:s17], [sflag:$0x1] =	stream.indirect_vreg.gather [hbm4b:s5+s2], $0x80, v3, vm0, $0xb8;
	[tilespmem:$0x8100] =	vst v63  }
0x30: {  	_ = 	snop  }
0x31: {  	[tilespmem:s18], [sflag:$0x1] =	stream.indirect_vreg.gather [hbm4b:s6+s2], $0x80, v3, vm0, $0xb8;
	[tilespmem:$0x8100] =	vst v63  }
0x32: {  	v3 =	vld [tilespmem:$0x80];
	_ =	sdelay $0x4  }
0x33: {  	v63 =	vshll.u32 v3, $0x3  }
0x34: {  	v3 =	vand.u32 $0x7, v3;
	v4 =	vand.u32 $0xFFFFFFC0, v63  }
0x35: {  	v3 =	vor.u32 v3, v4  }
0x36: {  	v4 =	vperm.xlane v3, v0;
	_ =	sdelay $0x1  }
0x37: {  	v4 =	vadd.s32 v1, v4;
	_ =	sdelay $0x4  }
0x38: {  	[tilespmem:s19], [sflag:$0x1] =	stream.indirect_vreg.gather [hbm4b:s3+s2], $0x80, v4, vm0, $0xb8;
	[tilespmem:$0x8100] =	vst v63  }
0x39: {  	v3 =	vperm.xlane v3, v2  }
0x3a: {  	[tilespmem:s20], [sflag:$0x1] =	stream.indirect_vreg.gather [hbm4b:s4+s2], $0x80, v4, vm0, $0xb8;
	[tilespmem:$0x8100] =	vst v63  }
0x3b: {  	v3 =	vadd.s32 v1, v3  }
0x3c: {  	[tilespmem:s21], [sflag:$0x1] =	stream.indirect_vreg.gather [hbm4b:s5+s2], $0x80, v4, vm0, $0xb8;
	[tilespmem:$0x8100] =	vst v63  }
0x3d: {  	_ = 	snop  }
0x3e: {  	[tilespmem:s22], [sflag:$0x1] =	stream.indirect_vreg.gather [hbm4b:s6+s2], $0x80, v4, vm0, $0xb8;
	[tilespmem:$0x8100] =	vst v63  }
0x3f: {  	_ = 	snop  }
0x40: {  	[tilespmem:s23], [sflag:$0x1] =	stream.indirect_vreg.gather [hbm4b:s3+s2], $0x80, v3, vm0, $0xb8;
	[tilespmem:$0x8100] =	vst v63  }
0x41: {  	_ = 	snop  }
0x42: {  	[tilespmem:s24], [sflag:$0x1] =	stream.indirect_vreg.gather [hbm4b:s4+s2], $0x80, v3, vm0, $0xb8;
	[tilespmem:$0x8100] =	vst v63  }
0x43: {  	_ = 	snop  }
0x44: {  	[tilespmem:s25], [sflag:$0x1] =	stream.indirect_vreg.gather [hbm4b:s5+s2], $0x80, v3, vm0, $0xb8;
	[tilespmem:$0x8100] =	vst v63  }
0x45: {  	_ = 	snop  }
0x46: {  	[tilespmem:s26], [sflag:$0x1] =	stream.indirect_vreg.gather [hbm4b:s6+s2], $0x80, v3, vm0, $0xb8;
	[tilespmem:$0x8100] =	vst v63  }
0x47: {  	_ =	swait.ge [sflag:s28], $0x4000  }
0x48: {  	[sflag:s28] =	ssyncset.done $0x0  }
0x49: {  	s0 =	sadd.s32 $0xFFFC0000, s30;
	[sflag:s28] =	ssyncadd.s32 $0xFFFFC000  }
0x4a: {  	[hbm4b:s0+s2] =	stream.linear.scatter [tilespmem:s11], [sflag:$0x2], $0x4000, $0x38;
	[tilespmem:$0x8100] =	vst v63  }
0x4b: {  	_ =	swait.ge [sflag:s9], $0x4000  }
0x4c: {  	[sflag:s9] =	ssyncset.done $0x0  }
0x4d: {  	[sflag:s9] =	ssyncadd.s32 $0xFFFFC000  }
0x4e: {  	_ =	swait.ge [sflag:s28], $0x4000  }
0x4f: {  	p0 =	sne.s32 s31, $0x6;
	[sflag:s28] =	ssyncset.done $0x0  }
.Ltmp0:
0x50: {  	[sflag:s28] =	ssyncadd.s32 $0xFFFFC000;
	(pc) =	sbr.rel @p0 .LBB2_2-.Ltmp0, $4  }
0x51: {  	[hbm4b:s30+s2] =	stream.linear.scatter [tilespmem:s19], [sflag:$0x2], $0x4000, $0x38;
	[tilespmem:$0x8100] =	vst v63  }
0x52: {  	_ =	swait.ge [sflag:s9], $0x4000  }
0x53: {  	[sflag:s9] =	ssyncset.done $0x0  }
0x54: {  	s31 =	sadd.s32 $0x2, s31;
	s30 =	sadd.s32 $0x800, s30;
	[sflag:s9] =	ssyncadd.s32 $0xFFFFC000  }
0x55: {  	s29 =	sadd.s32 $0x1, s29  }
0x56: {  	p0 =	sne.s32 s29, s7  }
.Ltmp1:
0x57: {  	_ = 	snop;
	(pc) =	sbr.rel @p0 .LBB2_1-.Ltmp1, $1  }
0x58: {  	_ =	sdelay $0x3  }
0x59: {  	_ =	sfence.sel $0x180000  }
0x5a: {  	[bflag:$0x0] =	sbarrier.arrive $0xFFFF  }
0x5b: {  	_ =	strace $0x9000004A  }
0x5c: {  	[bflag:$0x2] =	sbarrier.arrive $0xFFFF  }
0x5d: {  	p0 =	sne.s32 s1, $0x0;
	s0 =	rddreg [dreg:$0x1]  }
0x5e: {  	s0 =	sadd.s32 @!p0 $0x100000, s0  }
0x5f: {  	[sflag:s0] =	ssyncadd.tile.s32 @!p0 $0x1;
	_ =	shalt  }
.Lfunc_end2:
_tile_overlayer_lowered:
.L_overlay_start_2:
0x60: {  	(tag) =	ssettag $0x2  }
0x61: {  	s0 =	rddreg [dreg:$0x0];
	s2 =	stileid.u32  }
0x62: {  	s1 =	rddreg [dreg:$0x1];
	p0 =	sne.s32 s2, $0x0  }
0x63: {  	s3 =	rddreg [dreg:$0x2];
	[bflag:$0x3] =	sbarrier.arrive $0xFFFF;
	s2 =	simm.s32 @!p0 $0x1C02  }
0x64: {  	[timem:s3], [sflag:s2] =	dma.local @!p0 [hbm:s0], s1  }
0x65: {  	s0 =	simm.s32 @!p0 $0x2  }
0x66: {  	_ =	swait.ge @!p0 [sflag:s0], s1  }
0x67: {  	s1 =	ssub.s32 @!p0 $0x0, s1;
	[sflag:s0] =	ssyncset.done @!p0 $0x0  }
0x68: {  	[sflag:s0] =	ssyncadd.s32 @!p0 s1  }
0x69: {  	[bflag:$0x3] =	sbarrier.arrive $0xFFFF  }
0x6a: {  	_ =	shalt  }

// kernel: kernel.8.cloned.1.call-start
scs
__scs_entry_jumppad:
0x0: {  	(pc) =	sbr.rel $0x88, $3  }
0x1: {  	(tag) =	ssettag $0x0;
	lr =	simm.s32 $0x1  }
0x2: {  	[smem:$0x3F92] =	sst lr;
	_ =	strace $0xD0000000  }
0x3: {  	_ = 	snop  }
0x4: {  	_ = 	snop  }
0x5: {  	_ = 	snop  }
0x6: {  	_ = 	snop  }
0x7: {  	_ = 	snop  }
__scs_overlays_trampoline_lowered:
0x8: {  	[smem:$0x3FA1] =	sst s0  }
0x9: {  	[smem:$0x3FA2] =	sst s1  }
0xa: {  	[smem:$0x3FA3] =	sst s2  }
0xb: {  	[smem:$0x3FA4] =	sst s3  }
0xc: {  	[smem:$0x3FA5] =	sst s4  }
0xd: {  	[smem:$0x3FA6] =	sst s5  }
0xe: {  	[smem:$0x3FA7] =	sst s6  }
0xf: {  	[smem:$0x3FA8] =	sst s7  }
0x10: {  	[smem:$0x3FA9] =	sst s8  }
0x11: {  	[smem:$0x3FAA] =	sst s9;
	s0 =	simm.s32 @!p0 $0x0  }
0x12: {  	s1 =	sld [smem:$0x3F90];
	s0 =	simm.s32 @p0 $0x1  }
0x13: {  	[smem:$0x3FAB] =	sst s0;
	s0 =	simm.s32 @!p1 $0x0  }
0x14: {  	s2 =	sld [smem:$0x3F8F];
	s0 =	simm.s32 @p1 $0x1  }
0x15: {  	[smem:$0x3FAC] =	sst s0;
	s0 =	simm.s32 @!p2 $0x0  }
0x16: {  	s3 =	sld [smem:$0x3FDB];
	s0 =	simm.s32 @p2 $0x1  }
0x17: {  	s4 =	simm.s32 $0x1BF5;
	[smem:$0x3FAE] =	sst s0  }
0x18: {  	s0 =	sld [smem:$0x3F91];
	_ =	swait.ge [sflag:s4], $0x0  }
0x19: {  	s7 =	sld [smem:$0x3F92]  }
0x1a: {  	s8 =	sadd.s32 $0xFFFFE003, lr  }
0x1b: {  	s9 =	sadd.s32 $0xFFFFFEF7, lr;
	s5 =	simm.s32 $0xFFFFFFFF;
	p2 =	slt.u32 s8, $0xFFFFF086  }
0x1c: {  	p1 =	slt.u32 s9, $0xF7A;
	s5 =	simm.s32 @!p2 $0x0  }
0x1d: {  	s5 =	simm.s32 @p1 $0x1;
	p0 =	seq.s32 s7, s2  }
0x1e: {  	s7 =	smul.u32 @!p0 $0xF7A, s2;
	p2 =	seq.s32 @!p0 s5, $0x0  }
0x1f: {  	s9 =	smul.u32 $0xF7A, s1;
	s8 =	simm.s32 @!p0 $0x1BF5;
	p2 =	por !p2, p0  }
0x20: {  	[sflag:s8] =	ssyncset.s32 @!p0 $0xFFFFF086;
	s6 =	sadd.s32 @!p0 s3, s7;
	s7 =	simm.s32 @!p0 $0x108  }
0x21: {  	s3 =	sadd.s32 s3, s9;
	s6 =	sadd.s32 @!p0 $0x88, s6;
	s7 =	simm.s32 @p2 $0x1082  }
0x22: {  	[simem:s7], [sflag:s8] =	dma.local @!p0 [hbm:s6], $0xF7A  }
0x23: {  	s9 =	sor.u32 $0xD0000000, s2;
	s6 =	simm.s32 $0x108;
	_ =	swait.ge @!p0 [sflag:s8], $0x0  }
0x24: {  	s3 =	sadd.s32 $0x88, s3;
	s6 =	simm.s32 @!p1 $0x1082;
	[sflag:s4] =	ssyncset.s32 $0xFFFFF086  }
0x25: {  	[simem:s6], [sflag:s4] =	dma.local [hbm:s3], $0xF7A  }
0x26: {  	[smem:$0x3F92] =	sst s1;
	(tag) =	ssettag s2;
	_ =	strace s9  }
0x27: {  	s1 =	sld [smem:$0x3FA2]  }
0x28: {  	s2 =	sld [smem:$0x3FA3]  }
0x29: {  	s4 =	sld [smem:$0x3FA5]  }
0x2a: {  	p0 =	seq.s32 s5, $0x0;
	s5 =	sld [smem:$0x3FA6]  }
0x2b: {  	s6 =	sld [smem:$0x3FA7]  }
0x2c: {  	s7 =	sld [smem:$0x3FA8]  }
0x2d: {  	s3 =	simm.s32 $0x108;
	s8 =	sld [smem:$0x3FA9]  }
0x2e: {  	s3 =	simm.s32 @!p0 $0x1082;
	s9 =	sld [smem:$0x3FAA]  }
0x2f: {  	lr =	sadd.s32 s0, s3;
	s0 =	sld [smem:$0x3FA1]  }
0x30: {  	s3 =	sld [smem:$0x3FA4]  }
0x31: {  	[smem:$0x3FAD] =	sst s10  }
0x32: {  	s10 =	sld [smem:$0x3FAB];
	_ =	sdelay $0x3  }
0x33: {  	p0 =	seq.s32 s10, $0x1;
	s10 =	sld [smem:$0x3FAD];
	_ =	sdelay $0x3  }
0x34: {  	[smem:$0x3FAD] =	sst s10  }
0x35: {  	s10 =	sld [smem:$0x3FAC];
	_ =	sdelay $0x3  }
0x36: {  	p1 =	seq.s32 s10, $0x1;
	s10 =	sld [smem:$0x3FAD];
	_ =	sdelay $0x3  }
0x37: {  	[smem:$0x3FAD] =	sst s10  }
0x38: {  	s10 =	sld [smem:$0x3FAE]  }
0x39: {  	_ = 	snop;
	(pc) =	sbr.ind lr, $3  }
0x3a: {  	_ = 	snop  }
0x3b: {  	_ = 	snop  }
0x3c: {  	p2 =	seq.s32 s10, $0x1;
	s10 =	sld [smem:$0x3FAD]  }
0x3d: {  	_ =	shalt  }
0x3e: {  	_ =	shalt  }
0x3f: {  	_ =	shalt  }
0x40: {  	_ =	shalt  }
0x41: {  	_ =	shalt  }
0x42: {  	_ =	shalt  }
0x43: {  	_ =	shalt  }
0x44: {  	_ =	shalt  }
0x45: {  	_ =	shalt  }
0x46: {  	_ =	shalt  }
0x47: {  	_ =	shalt  }
0x48: {  	_ =	shalt  }
0x49: {  	_ =	shalt  }
0x4a: {  	_ =	shalt  }
0x4b: {  	_ =	shalt  }
0x4c: {  	_ =	shalt  }
0x4d: {  	_ =	shalt  }
0x4e: {  	_ =	shalt  }
0x4f: {  	_ =	shalt  }
0x50: {  	_ =	shalt  }
0x51: {  	_ =	shalt  }
0x52: {  	_ =	shalt  }
0x53: {  	_ =	shalt  }
0x54: {  	_ =	shalt  }
0x55: {  	_ =	shalt  }
0x56: {  	_ =	shalt  }
0x57: {  	_ =	shalt  }
0x58: {  	_ =	shalt  }
0x59: {  	_ =	shalt  }
0x5a: {  	_ =	shalt  }
0x5b: {  	_ =	shalt  }
0x5c: {  	_ =	shalt  }
0x5d: {  	_ =	shalt  }
0x5e: {  	_ =	shalt  }
0x5f: {  	_ =	shalt  }
0x60: {  	_ =	shalt  }
0x61: {  	_ =	shalt  }
0x62: {  	_ =	shalt  }
0x63: {  	_ =	shalt  }
0x64: {  	_ =	shalt  }
0x65: {  	_ =	shalt  }
0x66: {  	_ =	shalt  }
0x67: {  	_ =	shalt  }
0x68: {  	_ =	shalt  }
0x69: {  	_ =	shalt  }
0x6a: {  	_ =	shalt  }
0x6b: {  	_ =	shalt  }
0x6c: {  	_ =	shalt  }
0x6d: {  	_ =	shalt  }
0x6e: {  	_ =	shalt  }
0x6f: {  	_ =	shalt  }
0x70: {  	_ =	shalt  }
0x71: {  	_ =	shalt  }
0x72: {  	_ =	shalt  }
0x73: {  	_ =	shalt  }
0x74: {  	_ =	shalt  }
0x75: {  	_ =	shalt  }
0x76: {  	_ =	shalt  }
0x77: {  	_ =	shalt  }
0x78: {  	_ =	shalt  }
0x79: {  	_ =	shalt  }
0x7a: {  	_ =	shalt  }
0x7b: {  	_ =	shalt  }
0x7c: {  	_ =	shalt  }
0x7d: {  	_ =	shalt  }
0x7e: {  	_ =	shalt  }
0x7f: {  	_ =	shalt  }
0x80: {  	_ =	shalt  }
0x81: {  	_ =	shalt  }
0x82: {  	_ =	shalt  }
0x83: {  	_ =	shalt  }
0x84: {  	_ =	shalt  }
0x85: {  	_ =	shalt  }
0x86: {  	_ =	shalt  }
0x87: {  	_ =	shalt  }
.Lfunc_end0:
.L_simem_size_0:
called_computation_lowered:
.L_overlay_start_0:
0x88: {  	s2 =	sld [smem:$0x3FD9]  }
0x89: {  	s3 =	sld [smem:$0x3FFE];
	_ =	sdelay $0x1  }
0x8a: {  	s1 =	srdreg.scid  }
0x8b: {  	s0 =	sand.u32 $0x1, s1  }
0x8c: {  	s17 =	sshll.u32 s0, $0xA;
	s2 =	sadd.s32 s3, s2  }
0x8d: {  	s2 =	sadd.s32 s2, s17  }
0x8e: {  	[smem:$0x3FB9] =	sst s2  }
0x8f: {  	_ = 	snop  }
0x90: {  	s2 =	sld [smem:$0x3FC9]  }
0x91: {  	s18 =	sld [smem:$0x3FD0];
	(tm) =	ssettm $0x1  }
0x92: {  	s4 =	sld [smem:$0x3FFB];
	_ =	sdelay $0x3  }
0x93: {  	_ =	strace s4  }
0x94: {  	s4 =	sld [smem:$0x3FFC];
	_ =	sdelay $0x3  }
0x95: {  	_ =	strace s4  }
0x96: {  	s4 =	sld [smem:$0x3FFD];
	_ =	sdelay $0x3  }
0x97: {  	_ =	strace s4  }
0x98: {  	_ =	strace $0x8FFFFFFF  }
0x99: {  	s19 =	sld [smem:$0x3FDB];
	_ =	sdelay $0x1  }
0x9a: {  	s5 =	simm.s32 $_scs_section_size  }
0x9b: {  	s6 =	simm.s32 $_size__tile_overlayer_lowered;
	s7 =	simm.s32 $_tile_overlayer_lowered  }
0x9c: {  	s22 =	simm.s32 $0x1BFF;
	s21 =	sshll.u32 s7, $0x1;
	s4 =	sadd.s32 s5, s19  }
0x9d: {  	s8 =	simm.s32 $0x0;
	s20 =	sshll.u32 s6, $0x1;
	s6 =	sadd.s32 s21, s4  }
0x9e: {  	[timem:s8], [sflag:s22] =	dma.local [hbm:s6], s20  }
0x9f: {  	_ =	swait.ge [sflag:s22], s20  }
0xa0: {  	s5 =	ssub.s32 $0x0, s20;
	[sflag:s22] =	ssyncset.done $0x0  }
0xa1: {  	[sflag:s22] =	ssyncadd.s32 s5;
	_ =	sdelay $0x1  }
0xa2: {  	s23 =	simm.s32 $0x1B8B  }
0xa3: {  	_ =	swait.ge [sflag:s23], $0x1  }
0xa4: {  	[sflag:s23] =	ssyncset.done $0x0  }
0xa5: {  	s25 =	simm.s32 $0x1B8E;
	s24 =	sld [smem:$0x3FFE];
	[sflag:s23] =	ssyncadd.s32 $0xFFFFFFFF  }
0xa6: {  	s26 =	simm.s32 $execute0_lowered;
	[smem:$0x3FD2] =	sst s25  }
0xa7: {  	s6 =	sshll.u32 s26, $0x1;
	_ =	strace $0x80000046;
	[dreg:$0x1] =	wrdreg $0xFFFFFFFF  }
0xa8: {  	s28 =	simm.s32 $_size_execute0_lowered;
	s4 =	sadd.s32 s4, s6;
	[dreg:$0x0] =	wrdreg $0x0  }
0xa9: {  	s6 =	sshll.u32 s28, $0x1;
	[dreg:$0x2] =	wrdreg s4  }
0xaa: {  	[dreg:$0x3] =	wrdreg s6  }
0xab: {  	[dreg:$0x4] =	wrdreg $0xC0  }
0xac: {  	_ =	task [dreg:s8], $0x5FFFF  }
0xad: {  	[dreg:$0x1] =	wrdreg $0xFFFFFFFF  }
0xae: {  	[dreg:$0x0] =	wrdreg $0x60  }
0xaf: {  	[dreg:$0x2] =	wrdreg s2  }
0xb0: {  	[dreg:$0x3] =	wrdreg s24  }
0xb1: {  	[dreg:$0x4] =	wrdreg s18  }
0xb2: {  	[dreg:$0x5] =	wrdreg $0x9  }
0xb3: {  	_ =	task.clear_ibuf [dreg:s8], $0x6FFFF;
	_ =	strace $0x90000046  }
0xb4: {  	s29 =	simm.s32 $0x9;
	_ =	strace $0x80000048  }
0xb5: {  	_ =	swait.ge [sflag:s29], $0x1  }
0xb6: {  	[sflag:s29] =	ssyncadd.s32 $0xFFFFFFFF  }
0xb7: {  	_ =	strace $0x90000048  }
0xb8: {  	_ =	sfence  }
0xb9: {  	s30 =	sld [smem:$0x0];
	_ =	sdelay $0x2  }
0xba: {  	s31 =	sshll.u32 s1, $0xD;
	s1 =	sshrl.u32 s1, $0x2  }
0xbb: {  	s3 =	sand.u32 $0x4000, s31;
	s1 =	sadd.s32 s1, s30  }
0xbc: {  	s0 =	sor.u32 s3, s0;
	s1 =	sshll.u32 s1, $0x11  }
0xbd: {  	s0 =	sor.u32 s1, s0  }
0xbe: {  	s0 =	sadd.s32 $0x8F2B, s0  }
0xbf: {  	[sflag:s0] =	ssyncadd.remote.s32 $0x1  }
0xc0: {  	_ =	sfence.sel $0xFFFF  }
0xc1: {  	[dreg:$0x0] =	wrdreg $0xFFFFFFFF;
	(pc) =	sbr.abs _section_cstart, $3  }
0xc2: {  	[dreg:$0x1] =	wrdreg $0xFFFFFFFF  }
0xc3: {  	_ =	task.clear_ibuf [dreg:s8], $0x2FFFF;
	_ =	strace $0x9FFFFFFF  }
0xc4: {  	(tm) =	ssettm $0x7FFFFFFF  }
0xc5: {  	_ =	shalt  }
tec
execute0_lowered:
.L_overlay_start_1:
0x0: {  	(tag) =	ssettag $0x1  }
0x1: {  	s0 =	rddreg [dreg:$0x0]  }
0x2: {  	s1 =	srdreg.scid;
	s2 =	rddreg [dreg:$0x1]  }
0x3: {  	s3 =	stileid.u32;
	s10 =	simm.s32 $0x2;
	s19 =	simm.s32 $0x1  }
0x4: {  	s28 =	simm.s32 $0x2000;
	s29 =	simm.s32 $0x2800;
	s30 =	simm.s32 $0x3000  }
0x5: {  	s31 =	simm.s32 $0x3800;
	s9 =	simm.s32 $0x5800;
	s11 =	simm.s32 $0x6000  }
0x6: {  	s12 =	simm.s32 $0x6800;
	s13 =	simm.s32 $0x7000;
	s14 =	simm.s32 $0x7800  }
0x7: {  	s15 =	simm.s32 $0x8000;
	s16 =	simm.s32 $0x8800;
	s17 =	simm.s32 $0x9000  }
0x8: {  	s18 =	simm.s32 $0x9800;
	s21 =	simm.s32 $0xA000;
	s20 =	simm.s32 $0xA800  }
0x9: {  	s1 =	sand.u32 $0x1, s1;
	s4 =	sshll.u32 s3, $0x7;
	s3 =	simm.s32 $0x0  }
0xa: {  	s7 =	sadd.s32 $0x12B00, s2;
	s5 =	sshll.u32 s1, $0x6;
	[smem:$0x7FF] =	sst s3  }
0xb: {  	s1 =	ssub.s32 $0x2, s1;
	s4 =	sor.u32 s5, s4;
	_ =	strace $0x80000047  }
0xc: {  	s24 =	sshrl.u32 s1, $0x1;
	s5 =	sshrl.u32 s4, $0x3;
	s6 =	sshll.u32 s4, $0x4  }
0xd: {  	s4 =	sshll.u32 s4, $0x7;
	s1 =	ssub.s32 s1, s24;
	s24 =	simm.s32 $0xB000  }
0xe: {  	s5 =	sadd.s32 s5, s2;
	s8 =	sadd.s32 s6, s2;
	s0 =	sadd.s32 s0, s4  }
0xf: {  	s4 =	sadd.s32 $0x12800, s2;
	s23 =	sadd.s32 $0x12400, s5;
	[dreg:$0x6] =	wrdreg s0  }
0x10: {  	s6 =	sadd.s32 $0x12A00, s2;
	s5 =	sadd.s32 $0x12600, s5;
	[dreg:$0x4] =	wrdreg s23  }
0x11: {  	v2 =	vlaneseq.u32;
	s25 =	sadd.s32 $0x2400, s8;
	s26 =	sadd.s32 $0xA400, s8;
	[dreg:$0x5] =	wrdreg s5  }
0x12: {  	vm0 =	vmmov $0xffff;
	v1 =	vshrl.u32 v2, $0x3;
	s8 =	smax.u32 s1, $0x1;
	s5 =	sadd.s32 $0x12900, s2;
	[dreg:$0x7] =	wrdreg s25  }
0x13: {  	v0 =	vand.u32 $0x7, v2;
	v2 =	vor.u32 $0x8, v2;
	v1 =	vmul.u32 $0x8, v1;
	[dreg:$0x8] =	wrdreg s26;
	s26 =	simm.s32 $0x1800;
	s25 =	simm.s32 $0xB800  }
.LBB2_1:
0x14: {  	s22 =	rddreg [dreg:$0x4];
	s0 =	simm.s32 $0x12000  }
0x15: {  	[tilespmem:s0], [sflag:$0x2] =	stream.linear.gather [hbm4b:s22+s3], $0x40, $0x38;
	[tilespmem:$0x12100] =	vst v63  }
0x16: {  	_ =	swait.ge [sflag:s10], $0x40  }
0x17: {  	[sflag:s10] =	ssyncset.done $0x0  }
0x18: {  	s23 =	simm.s32 $0x12080;
	s2 =	rddreg [dreg:$0x5];
	[sflag:s10] =	ssyncadd.s32 $0xFFFFFFC0  }
0x19: {  	[tilespmem:s23], [sflag:$0x2] =	stream.linear.gather [hbm4b:s2+s3], $0x40, $0x38;
	[tilespmem:$0x12100] =	vst v63  }
0x1a: {  	_ =	swait.ge [sflag:s10], $0x40  }
0x1b: {  	[sflag:s10] =	ssyncset.done $0x0  }
0x1c: {  	s1 =	rddreg [dreg:$0x6];
	[sflag:s10] =	ssyncadd.s32 $0xFFFFFFC0  }
0x1d: {  	[tilespmem:s3], [sflag:$0x2] =	stream.linear.gather [hbm4b:s1+s3], $0x10000, $0x38;
	[tilespmem:$0x12100] =	vst v63  }
0x1e: {  	_ =	swait.ge [sflag:s10], $0x10000  }
0x1f: {  	[sflag:s10] =	ssyncset.done $0x0  }
0x20: {  	[sflag:s10] =	ssyncadd.s32 $0xFFFF0000  }
0x21: {  	v3 =	vld [tilespmem:$0x12000];
	_ =	sdelay $0x4  }
0x22: {  	v4 =	vshll.u32 v3, $0x3  }
0x23: {  	v3 =	vand.u32 $0x7, v3;
	v4 =	vand.u32 $0xFFFFFFC0, v4  }
0x24: {  	v3 =	vor.u32 v3, v4  }
0x25: {  	v4 =	vperm.xlane v3, v0;
	_ =	sdelay $0x1  }
0x26: {  	v4 =	vadd.s32 v1, v4;
	_ =	sdelay $0x4  }
0x27: {  	[hbm4b:s4+s3] =	stream.indirect_vreg.scatter [tilespmem:s3], [sflag:$0x1], $0x80, v4, vm0, $0xb8;
	[tilespmem:$0x12100] =	vst v63  }
0x28: {  	s22 =	simm.s32 $0x800;
	v3 =	vperm.xlane v3, v2  }
0x29: {  	[hbm4b:s5+s3] =	stream.indirect_vreg.scatter [tilespmem:s22], [sflag:$0x1], $0x80, v4, vm0, $0xb8;
	[tilespmem:$0x12100] =	vst v63  }
0x2a: {  	s23 =	simm.s32 $0x1000;
	v3 =	vadd.s32 v1, v3  }
0x2b: {  	[hbm4b:s6+s3] =	stream.indirect_vreg.scatter [tilespmem:s23], [sflag:$0x1], $0x80, v4, vm0, $0xb8;
	[tilespmem:$0x12100] =	vst v63  }
0x2c: {  	_ = 	snop  }
0x2d: {  	[hbm4b:s7+s3] =	stream.indirect_vreg.scatter [tilespmem:s26], [sflag:$0x1], $0x80, v4, vm0, $0xb8;
	[tilespmem:$0x12100] =	vst v63  }
0x2e: {  	_ = 	snop  }
0x2f: {  	[hbm4b:s4+s3] =	stream.indirect_vreg.scatter [tilespmem:s28], [sflag:$0x1], $0x80, v3, vm0, $0xb8;
	[tilespmem:$0x12100] =	vst v63  }
0x30: {  	_ = 	snop  }
0x31: {  	[hbm4b:s5+s3] =	stream.indirect_vreg.scatter [tilespmem:s29], [sflag:$0x1], $0x80, v3, vm0, $0xb8;
	[tilespmem:$0x12100] =	vst v63  }
0x32: {  	_ = 	snop  }
0x33: {  	[hbm4b:s6+s3] =	stream.indirect_vreg.scatter [tilespmem:s30], [sflag:$0x1], $0x80, v3, vm0, $0xb8;
	[tilespmem:$0x12100] =	vst v63  }
0x34: {  	_ = 	snop  }
0x35: {  	[hbm4b:s7+s3] =	stream.indirect_vreg.scatter [tilespmem:s31], [sflag:$0x1], $0x80, v3, vm0, $0xb8;
	[tilespmem:$0x12100] =	vst v63  }
0x36: {  	v3 =	vld [tilespmem:$0x12010];
	_ =	sdelay $0x4  }
0x37: {  	v57 =	vshll.u32 v3, $0x3  }
0x38: {  	v3 =	vand.u32 $0x7, v3;
	v4 =	vand.u32 $0xFFFFFFC0, v57  }
0x39: {  	v3 =	vor.u32 v3, v4  }
0x3a: {  	v4 =	vperm.xlane v3, v0;
	_ =	sdelay $0x1  }
0x3b: {  	v4 =	vadd.s32 v1, v4;
	_ =	sdelay $0x3  }
0x3c: {  	s1 =	simm.s32 $0x4000  }
0x3d: {  	[hbm4b:s4+s3] =	stream.indirect_vreg.scatter [tilespmem:s1], [sflag:$0x1], $0x80, v4, vm0, $0xb8;
	[tilespmem:$0x12100] =	vst v63  }
0x3e: {  	s2 =	simm.s32 $0x4800;
	v3 =	vperm.xlane v3, v2  }
0x3f: {  	[hbm4b:s5+s3] =	stream.indirect_vreg.scatter [tilespmem:s2], [sflag:$0x1], $0x80, v4, vm0, $0xb8;
	[tilespmem:$0x12100] =	vst v63  }
0x40: {  	v3 =	vadd.s32 v1, v3;
	s2 =	simm.s32 $0x5000  }
0x41: {  	[hbm4b:s6+s3] =	stream.indirect_vreg.scatter [tilespmem:s2], [sflag:$0x1], $0x80, v4, vm0, $0xb8;
	[tilespmem:$0x12100] =	vst v63  }
0x42: {  	_ = 	snop  }
0x43: {  	[hbm4b:s7+s3] =	stream.indirect_vreg.scatter [tilespmem:s9], [sflag:$0x1], $0x80, v4, vm0, $0xb8;
	[tilespmem:$0x12100] =	vst v63  }
0x44: {  	_ = 	snop  }
0x45: {  	[hbm4b:s4+s3] =	stream.indirect_vreg.scatter [tilespmem:s11], [sflag:$0x1], $0x80, v3, vm0, $0xb8;
	[tilespmem:$0x12100] =	vst v63  }
0x46: {  	_ = 	snop  }
0x47: {  	[hbm4b:s5+s3] =	stream.indirect_vreg.scatter [tilespmem:s12], [sflag:$0x1], $0x80, v3, vm0, $0xb8;
	[tilespmem:$0x12100] =	vst v63  }
0x48: {  	_ = 	snop  }
0x49: {  	[hbm4b:s6+s3] =	stream.indirect_vreg.scatter [tilespmem:s13], [sflag:$0x1], $0x80, v3, vm0, $0xb8;
	[tilespmem:$0x12100] =	vst v63  }
0x4a: {  	_ = 	snop  }
0x4b: {  	[hbm4b:s7+s3] =	stream.indirect_vreg.scatter [tilespmem:s14], [sflag:$0x1], $0x80, v3, vm0, $0xb8;
	[tilespmem:$0x12100] =	vst v63  }
0x4c: {  	v3 =	vld [tilespmem:$0x12020];
	_ =	sdelay $0x4  }
0x4d: {  	v58 =	vshll.u32 v3, $0x3  }
0x4e: {  	v3 =	vand.u32 $0x7, v3;
	v4 =	vand.u32 $0xFFFFFFC0, v58  }
0x4f: {  	v3 =	vor.u32 v3, v4  }
0x50: {  	v4 =	vperm.xlane v3, v0;
	_ =	sdelay $0x1  }
0x51: {  	v4 =	vadd.s32 v1, v4;
	_ =	sdelay $0x4  }
0x52: {  	[hbm4b:s4+s3] =	stream.indirect_vreg.scatter [tilespmem:s15], [sflag:$0x1], $0x80, v4, vm0, $0xb8;
	[tilespmem:$0x12100] =	vst v63  }
0x53: {  	v3 =	vperm.xlane v3, v2  }
0x54: {  	[hbm4b:s5+s3] =	stream.indirect_vreg.scatter [tilespmem:s16], [sflag:$0x1], $0x80, v4, vm0, $0xb8;
	[tilespmem:$0x12100] =	vst v63  }
0x55: {  	v3 =	vadd.s32 v1, v3  }
0x56: {  	[hbm4b:s6+s3] =	stream.indirect_vreg.scatter [tilespmem:s17], [sflag:$0x1], $0x80, v4, vm0, $0xb8;
	[tilespmem:$0x12100] =	vst v63  }
0x57: {  	_ = 	snop  }
0x58: {  	[hbm4b:s7+s3] =	stream.indirect_vreg.scatter [tilespmem:s18], [sflag:$0x1], $0x80, v4, vm0, $0xb8;
	[tilespmem:$0x12100] =	vst v63  }
0x59: {  	_ = 	snop  }
0x5a: {  	[hbm4b:s4+s3] =	stream.indirect_vreg.scatter [tilespmem:s21], [sflag:$0x1], $0x80, v3, vm0, $0xb8;
	[tilespmem:$0x12100] =	vst v63  }
0x5b: {  	_ = 	snop  }
0x5c: {  	[hbm4b:s5+s3] =	stream.indirect_vreg.scatter [tilespmem:s20], [sflag:$0x1], $0x80, v3, vm0, $0xb8;
	[tilespmem:$0x12100] =	vst v63  }
0x5d: {  	_ = 	snop  }
0x5e: {  	[hbm4b:s6+s3] =	stream.indirect_vreg.scatter [tilespmem:s24], [sflag:$0x1], $0x80, v3, vm0, $0xb8;
	[tilespmem:$0x12100] =	vst v63  }
0x5f: {  	_ = 	snop  }
0x60: {  	[hbm4b:s7+s3] =	stream.indirect_vreg.scatter [tilespmem:s25], [sflag:$0x1], $0x80, v3, vm0, $0xb8;
	[tilespmem:$0x12100] =	vst v63  }
0x61: {  	v3 =	vld [tilespmem:$0x12030];
	_ =	sdelay $0x4  }
0x62: {  	v59 =	vshll.u32 v3, $0x3  }
0x63: {  	v3 =	vand.u32 $0x7, v3;
	v4 =	vand.u32 $0xFFFFFFC0, v59  }
0x64: {  	v3 =	vor.u32 v3, v4  }
0x65: {  	v4 =	vperm.xlane v3, v0;
	_ =	sdelay $0x1  }
0x66: {  	v4 =	vadd.s32 v1, v4;
	_ =	sdelay $0x3  }
0x67: {  	s0 =	simm.s32 $0xC000  }
0x68: {  	[hbm4b:s4+s3] =	stream.indirect_vreg.scatter [tilespmem:s0], [sflag:$0x1], $0x80, v4, vm0, $0xb8;
	[tilespmem:$0x12100] =	vst v63  }
0x69: {  	v3 =	vperm.xlane v3, v2;
	s0 =	simm.s32 $0xC800  }
0x6a: {  	[hbm4b:s5+s3] =	stream.indirect_vreg.scatter [tilespmem:s0], [sflag:$0x1], $0x80, v4, vm0, $0xb8;
	[tilespmem:$0x12100] =	vst v63  }
0x6b: {  	v3 =	vadd.s32 v1, v3;
	s0 =	simm.s32 $0xD000  }
0x6c: {  	[hbm4b:s6+s3] =	stream.indirect_vreg.scatter [tilespmem:s0], [sflag:$0x1], $0x80, v4, vm0, $0xb8;
	[tilespmem:$0x12100] =	vst v63  }
0x6d: {  	s0 =	simm.s32 $0xD800  }
0x6e: {  	[hbm4b:s7+s3] =	stream.indirect_vreg.scatter [tilespmem:s0], [sflag:$0x1], $0x80, v4, vm0, $0xb8;
	[tilespmem:$0x12100] =	vst v63  }
0x6f: {  	s0 =	simm.s32 $0xE000  }
0x70: {  	[hbm4b:s4+s3] =	stream.indirect_vreg.scatter [tilespmem:s0], [sflag:$0x1], $0x80, v3, vm0, $0xb8;
	[tilespmem:$0x12100] =	vst v63  }
0x71: {  	s0 =	simm.s32 $0xE800  }
0x72: {  	[hbm4b:s5+s3] =	stream.indirect_vreg.scatter [tilespmem:s0], [sflag:$0x1], $0x80, v3, vm0, $0xb8;
	[tilespmem:$0x12100] =	vst v63  }
0x73: {  	s0 =	simm.s32 $0xF000  }
0x74: {  	[hbm4b:s6+s3] =	stream.indirect_vreg.scatter [tilespmem:s0], [sflag:$0x1], $0x80, v3, vm0, $0xb8;
	[tilespmem:$0x12100] =	vst v63  }
0x75: {  	s0 =	simm.s32 $0xF800  }
0x76: {  	[hbm4b:s7+s3] =	stream.indirect_vreg.scatter [tilespmem:s0], [sflag:$0x1], $0x80, v3, vm0, $0xb8;
	[tilespmem:$0x12100] =	vst v63  }
0x77: {  	_ =	swait.ge [sflag:s19], $0x10000  }
0x78: {  	[sflag:s19] =	ssyncset.done $0x0  }
0x79: {  	[sflag:s19] =	ssyncadd.s32 $0xFFFF0000  }
0x7a: {  	v3 =	vld [tilespmem:$0x12080];
	_ =	sdelay $0x4  }
0x7b: {  	v60 =	vshll.u32 v3, $0x3  }
0x7c: {  	v3 =	vand.u32 $0x7, v3;
	v4 =	vand.u32 $0xFFFFFFC0, v60  }
0x7d: {  	v3 =	vor.u32 v3, v4  }
0x7e: {  	v4 =	vperm.xlane v3, v0;
	_ =	sdelay $0x1  }
0x7f: {  	v4 =	vadd.s32 v1, v4;
	_ =	sdelay $0x4  }
0x80: {  	[hbm4b:s4+s3] =	stream.indirect_vreg.scatter [tilespmem:s3], [sflag:$0x1], $0x80, v4, vm0, $0xb8;
	[tilespmem:$0x12100] =	vst v63  }
0x81: {  	v3 =	vperm.xlane v3, v2  }
0x82: {  	[hbm4b:s5+s3] =	stream.indirect_vreg.scatter [tilespmem:s22], [sflag:$0x1], $0x80, v4, vm0, $0xb8;
	[tilespmem:$0x12100] =	vst v63  }
0x83: {  	v3 =	vadd.s32 v1, v3  }
0x84: {  	[hbm4b:s6+s3] =	stream.indirect_vreg.scatter [tilespmem:s23], [sflag:$0x1], $0x80, v4, vm0, $0xb8;
	[tilespmem:$0x12100] =	vst v63  }
0x85: {  	_ = 	snop  }
0x86: {  	[hbm4b:s7+s3] =	stream.indirect_vreg.scatter [tilespmem:s26], [sflag:$0x1], $0x80, v4, vm0, $0xb8;
	[tilespmem:$0x12100] =	vst v63  }
0x87: {  	_ = 	snop  }
0x88: {  	[hbm4b:s4+s3] =	stream.indirect_vreg.scatter [tilespmem:s28], [sflag:$0x1], $0x80, v3, vm0, $0xb8;
	[tilespmem:$0x12100] =	vst v63  }
0x89: {  	_ = 	snop  }
0x8a: {  	[hbm4b:s5+s3] =	stream.indirect_vreg.scatter [tilespmem:s29], [sflag:$0x1], $0x80, v3, vm0, $0xb8;
	[tilespmem:$0x12100] =	vst v63  }
0x8b: {  	_ = 	snop  }
0x8c: {  	[hbm4b:s6+s3] =	stream.indirect_vreg.scatter [tilespmem:s30], [sflag:$0x1], $0x80, v3, vm0, $0xb8;
	[tilespmem:$0x12100] =	vst v63  }
0x8d: {  	_ = 	snop  }
0x8e: {  	[hbm4b:s7+s3] =	stream.indirect_vreg.scatter [tilespmem:s31], [sflag:$0x1], $0x80, v3, vm0, $0xb8;
	[tilespmem:$0x12100] =	vst v63  }
0x8f: {  	v3 =	vld [tilespmem:$0x12090];
	_ =	sdelay $0x4  }
0x90: {  	v61 =	vshll.u32 v3, $0x3  }
0x91: {  	v3 =	vand.u32 $0x7, v3;
	v4 =	vand.u32 $0xFFFFFFC0, v61  }
0x92: {  	v3 =	vor.u32 v3, v4  }
0x93: {  	v4 =	vperm.xlane v3, v0;
	_ =	sdelay $0x1  }
0x94: {  	v4 =	vadd.s32 v1, v4;
	_ =	sdelay $0x4  }
0x95: {  	[hbm4b:s4+s3] =	stream.indirect_vreg.scatter [tilespmem:s1], [sflag:$0x1], $0x80, v4, vm0, $0xb8;
	[tilespmem:$0x12100] =	vst v63  }
0x96: {  	s22 =	simm.s32 $0x4800;
	v3 =	vperm.xlane v3, v2  }
0x97: {  	[hbm4b:s5+s3] =	stream.indirect_vreg.scatter [tilespmem:s22], [sflag:$0x1], $0x80, v4, vm0, $0xb8;
	[tilespmem:$0x12100] =	vst v63  }
0x98: {  	v3 =	vadd.s32 v1, v3  }
0x99: {  	[hbm4b:s6+s3] =	stream.indirect_vreg.scatter [tilespmem:s2], [sflag:$0x1], $0x80, v4, vm0, $0xb8;
	[tilespmem:$0x12100] =	vst v63  }
0x9a: {  	_ = 	snop  }
0x9b: {  	[hbm4b:s7+s3] =	stream.indirect_vreg.scatter [tilespmem:s9], [sflag:$0x1], $0x80, v4, vm0, $0xb8;
	[tilespmem:$0x12100] =	vst v63  }
0x9c: {  	_ = 	snop  }
0x9d: {  	[hbm4b:s4+s3] =	stream.indirect_vreg.scatter [tilespmem:s11], [sflag:$0x1], $0x80, v3, vm0, $0xb8;
	[tilespmem:$0x12100] =	vst v63  }
0x9e: {  	_ = 	snop  }
0x9f: {  	[hbm4b:s5+s3] =	stream.indirect_vreg.scatter [tilespmem:s12], [sflag:$0x1], $0x80, v3, vm0, $0xb8;
	[tilespmem:$0x12100] =	vst v63  }
0xa0: {  	_ = 	snop  }
0xa1: {  	[hbm4b:s6+s3] =	stream.indirect_vreg.scatter [tilespmem:s13], [sflag:$0x1], $0x80, v3, vm0, $0xb8;
	[tilespmem:$0x12100] =	vst v63  }
0xa2: {  	_ = 	snop  }
0xa3: {  	[hbm4b:s7+s3] =	stream.indirect_vreg.scatter [tilespmem:s14], [sflag:$0x1], $0x80, v3, vm0, $0xb8;
	[tilespmem:$0x12100] =	vst v63  }
0xa4: {  	v3 =	vld [tilespmem:$0x120A0];
	_ =	sdelay $0x4  }
0xa5: {  	v62 =	vshll.u32 v3, $0x3  }
0xa6: {  	v3 =	vand.u32 $0x7, v3;
	v4 =	vand.u32 $0xFFFFFFC0, v62  }
0xa7: {  	v3 =	vor.u32 v3, v4  }
0xa8: {  	v4 =	vperm.xlane v3, v0;
	_ =	sdelay $0x1  }
0xa9: {  	v4 =	vadd.s32 v1, v4;
	_ =	sdelay $0x4  }
0xaa: {  	[hbm4b:s4+s3] =	stream.indirect_vreg.scatter [tilespmem:s15], [sflag:$0x1], $0x80, v4, vm0, $0xb8;
	[tilespmem:$0x12100] =	vst v63  }
0xab: {  	v3 =	vperm.xlane v3, v2  }
0xac: {  	[hbm4b:s5+s3] =	stream.indirect_vreg.scatter [tilespmem:s16], [sflag:$0x1], $0x80, v4, vm0, $0xb8;
	[tilespmem:$0x12100] =	vst v63  }
0xad: {  	v3 =	vadd.s32 v1, v3  }
0xae: {  	[hbm4b:s6+s3] =	stream.indirect_vreg.scatter [tilespmem:s17], [sflag:$0x1], $0x80, v4, vm0, $0xb8;
	[tilespmem:$0x12100] =	vst v63  }
0xaf: {  	_ = 	snop  }
0xb0: {  	[hbm4b:s7+s3] =	stream.indirect_vreg.scatter [tilespmem:s18], [sflag:$0x1], $0x80, v4, vm0, $0xb8;
	[tilespmem:$0x12100] =	vst v63  }
0xb1: {  	_ = 	snop  }
0xb2: {  	[hbm4b:s4+s3] =	stream.indirect_vreg.scatter [tilespmem:s21], [sflag:$0x1], $0x80, v3, vm0, $0xb8;
	[tilespmem:$0x12100] =	vst v63  }
0xb3: {  	_ = 	snop  }
0xb4: {  	[hbm4b:s5+s3] =	stream.indirect_vreg.scatter [tilespmem:s20], [sflag:$0x1], $0x80, v3, vm0, $0xb8;
	[tilespmem:$0x12100] =	vst v63  }
0xb5: {  	_ = 	snop  }
0xb6: {  	[hbm4b:s6+s3] =	stream.indirect_vreg.scatter [tilespmem:s24], [sflag:$0x1], $0x80, v3, vm0, $0xb8;
	[tilespmem:$0x12100] =	vst v63  }
0xb7: {  	_ = 	snop  }
0xb8: {  	[hbm4b:s7+s3] =	stream.indirect_vreg.scatter [tilespmem:s25], [sflag:$0x1], $0x80, v3, vm0, $0xb8;
	[tilespmem:$0x12100] =	vst v63  }
0xb9: {  	v3 =	vld [tilespmem:$0x120B0];
	_ =	sdelay $0x4  }
0xba: {  	v63 =	vshll.u32 v3, $0x3  }
0xbb: {  	v3 =	vand.u32 $0x7, v3;
	v4 =	vand.u32 $0xFFFFFFC0, v63  }
0xbc: {  	v3 =	vor.u32 v3, v4  }
0xbd: {  	v4 =	vperm.xlane v3, v0;
	_ =	sdelay $0x1  }
0xbe: {  	v4 =	vadd.s32 v1, v4;
	_ =	sdelay $0x3  }
0xbf: {  	s23 =	simm.s32 $0xC000  }
0xc0: {  	[hbm4b:s4+s3] =	stream.indirect_vreg.scatter [tilespmem:s23], [sflag:$0x1], $0x80, v4, vm0, $0xb8;
	[tilespmem:$0x12100] =	vst v63  }
0xc1: {  	s2 =	simm.s32 $0xC800;
	v3 =	vperm.xlane v3, v2  }
0xc2: {  	[hbm4b:s5+s3] =	stream.indirect_vreg.scatter [tilespmem:s2], [sflag:$0x1], $0x80, v4, vm0, $0xb8;
	[tilespmem:$0x12100] =	vst v63  }
0xc3: {  	s22 =	simm.s32 $0xD000;
	v3 =	vadd.s32 v1, v3  }
0xc4: {  	[hbm4b:s6+s3] =	stream.indirect_vreg.scatter [tilespmem:s22], [sflag:$0x1], $0x80, v4, vm0, $0xb8;
	[tilespmem:$0x12100] =	vst v63  }
0xc5: {  	s23 =	simm.s32 $0xD800  }
0xc6: {  	[hbm4b:s7+s3] =	stream.indirect_vreg.scatter [tilespmem:s23], [sflag:$0x1], $0x80, v4, vm0, $0xb8;
	[tilespmem:$0x12100] =	vst v63  }
0xc7: {  	s2 =	simm.s32 $0xE000  }
0xc8: {  	[hbm4b:s4+s3] =	stream.indirect_vreg.scatter [tilespmem:s2], [sflag:$0x1], $0x80, v3, vm0, $0xb8;
	[tilespmem:$0x12100] =	vst v63  }
0xc9: {  	s22 =	simm.s32 $0xE800  }
0xca: {  	[hbm4b:s5+s3] =	stream.indirect_vreg.scatter [tilespmem:s22], [sflag:$0x1], $0x80, v3, vm0, $0xb8;
	[tilespmem:$0x12100] =	vst v63  }
0xcb: {  	s23 =	simm.s32 $0xF000  }
0xcc: {  	[hbm4b:s6+s3] =	stream.indirect_vreg.scatter [tilespmem:s23], [sflag:$0x1], $0x80, v3, vm0, $0xb8;
	[tilespmem:$0x12100] =	vst v63  }
0xcd: {  	_ = 	snop  }
0xce: {  	[hbm4b:s7+s3] =	stream.indirect_vreg.scatter [tilespmem:s0], [sflag:$0x1], $0x80, v3, vm0, $0xb8;
	[tilespmem:$0x12100] =	vst v63  }
0xcf: {  	_ =	swait.ge [sflag:s19], $0x10000  }
0xd0: {  	[sflag:s19] =	ssyncset.done $0x0  }
0xd1: {  	s0 =	simm.s32 $0x10000;
	s2 =	rddreg [dreg:$0x7];
	[sflag:s19] =	ssyncadd.s32 $0xFFFF0000  }
0xd2: {  	[tilespmem:s0], [sflag:$0x2] =	stream.linear.gather [hbm4b:s2+s3], $0x2000, $0x38;
	[tilespmem:$0x12100] =	vst v63  }
0xd3: {  	_ =	swait.ge [sflag:s10], $0x2000  }
0xd4: {  	[sflag:s10] =	ssyncset.done $0x0  }
0xd5: {  	[sflag:s10] =	ssyncadd.s32 $0xFFFFE000  }
0xd6: {  	s1 =	simm.s32 $0x40;
	s22 =	simm.s32 $0x12000;
	s23 =	rddreg [dreg:$0x2]  }
0xd7: {  	[hbm4b:s23+s1] =	stream.indirect.scatter [tilespmem:s0], [sflag:$0x1], $0x80, s22, s1, $0xb8;
	[tilespmem:$0x12100] =	vst v63  }
0xd8: {  	_ =	swait.ge [sflag:s19], $0x2000  }
0xd9: {  	[sflag:s19] =	ssyncset.done $0x0  }
0xda: {  	s2 =	rddreg [dreg:$0x8];
	[sflag:s19] =	ssyncadd.s32 $0xFFFFE000  }
0xdb: {  	[tilespmem:s0], [sflag:$0x2] =	stream.linear.gather [hbm4b:s2+s3], $0x2000, $0x38;
	[tilespmem:$0x12100] =	vst v63  }
0xdc: {  	_ =	swait.ge [sflag:s10], $0x2000  }
0xdd: {  	p0 =	sne.s32 s8, $0x1;
	[sflag:s10] =	ssyncset.done $0x0  }
.Ltmp0:
0xde: {  	s22 =	simm.s32 $0x12080;
	[sflag:s10] =	ssyncadd.s32 $0xFFFFE000;
	(pc) =	sbr.rel @p0 .LBB2_1-.Ltmp0, $4  }
0xdf: {  	[hbm4b:s23+s1] =	stream.indirect.scatter [tilespmem:s0], [sflag:$0x1], $0x80, s22, s1, $0xb8;
	[tilespmem:$0x12100] =	vst v63  }
0xe0: {  	_ =	swait.ge [sflag:s19], $0x2000  }
0xe1: {  	[sflag:s19] =	ssyncset.done $0x0  }
0xe2: {  	s8 =	sadd.s32 $0xFFFFFFFF, s8;
	[sflag:s19] =	ssyncadd.s32 $0xFFFFE000  }
0xe3: {  	_ =	sfence.sel $0x180000  }
0xe4: {  	[bflag:$0x0] =	sbarrier.arrive $0xFFFF  }
0xe5: {  	_ =	strace $0x90000047  }
0xe6: {  	s0 =	stileid.u32;
	[bflag:$0x2] =	sbarrier.arrive $0xFFFF  }
0xe7: {  	p0 =	sne.s32 s0, $0x0;
	s0 =	rddreg [dreg:$0x3]  }
0xe8: {  	s0 =	sadd.s32 @!p0 $0x100000, s0  }
0xe9: {  	[sflag:s0] =	ssyncadd.tile.s32 @!p0 $0x1;
	_ =	shalt  }
.Lfunc_end2:
_tile_overlayer_lowered:
.L_overlay_start_2:
0xea: {  	(tag) =	ssettag $0x2  }
0xeb: {  	s0 =	rddreg [dreg:$0x0];
	s2 =	stileid.u32  }
0xec: {  	s1 =	rddreg [dreg:$0x1];
	p0 =	sne.s32 s2, $0x0  }
0xed: {  	s3 =	rddreg [dreg:$0x2];
	[bflag:$0x3] =	sbarrier.arrive $0xFFFF;
	s2 =	simm.s32 @!p0 $0x1C02  }
0xee: {  	[timem:s3], [sflag:s2] =	dma.local @!p0 [hbm:s0], s1  }
0xef: {  	s0 =	simm.s32 @!p0 $0x2  }
0xf0: {  	_ =	swait.ge @!p0 [sflag:s0], s1  }
0xf1: {  	s1 =	ssub.s32 @!p0 $0x0, s1;
	[sflag:s0] =	ssyncset.done @!p0 $0x0  }
0xf2: {  	[sflag:s0] =	ssyncadd.s32 @!p0 s1  }
0xf3: {  	[bflag:$0x3] =	sbarrier.arrive $0xFFFF  }
0xf4: {  	_ =	shalt  }

</sc_bundles>
